<compile_context>
chip_gen: v7x
topology: tpu7x:2x2x1
jax: 0.10.2.dev20260603
libtpu: 0.0.44.dev20260713+nightly
codegen_flags: <defaults>
</compile_context>

<pallas_src>
import functools

import jax
import jax.numpy as jnp
from jax import lax
from jax.experimental import pallas as pl
from jax.experimental.pallas import tpu as pltpu
from jax.experimental.pallas import tpu_sc as plsc

N = 10000
E = 320000
D = 128
NC, NS = 2, 16
NW = NC * NS
E_PER = E // NW
CHUNK = 80
NCHUNK = E_PER // CHUNK
NP = 10240
ROWS_PER_TILE = NP // NS

_MESH = plsc.VectorSubcoreMesh(core_axis_name="c", subcore_axis_name="s")


@functools.partial(
    pl.kernel,
    mesh=_MESH,
    out_type=jax.ShapeDtypeStruct((NC * NP, D), jnp.float32),
    scratch_types=[
        pltpu.VMEM((CHUNK,), jnp.int32),
        pltpu.VMEM((CHUNK,), jnp.int32),
        pltpu.VMEM((CHUNK, D), jnp.float32),
        pltpu.VMEM_SHARED((NP, D), jnp.float32),
        pltpu.SemaphoreType.DMA,
    ],
)
def _sc_scatter(g_hbm, src_hbm, dst_hbm, zrows_hbm, acc_hbm,
                sbuf, dbuf, rows, acc_sh, sem):
    c = lax.axis_index("c")
    s = lax.axis_index("s")
    wid = s * NC + c
    r0 = s * ROWS_PER_TILE
    pltpu.sync_copy(zrows_hbm, acc_sh.at[pl.ds(r0, ROWS_PER_TILE)])
    plsc.subcore_barrier()

    def step(i, carry):
        pltpu.sync_copy(src_hbm.at[wid, i], sbuf)
        pltpu.sync_copy(dst_hbm.at[wid, i], dbuf)
        pltpu.async_copy(g_hbm.at[sbuf], rows, sem).wait()
        pltpu.sync_copy(rows, acc_sh.at[dbuf], add=True)
        return carry

    lax.fori_loop(0, NCHUNK, step, 0)
    plsc.subcore_barrier()
    pltpu.sync_copy(acc_sh.at[pl.ds(r0, ROWS_PER_TILE)],
                    acc_hbm.at[pl.ds(c * NP + r0, ROWS_PER_TILE)])


@functools.partial(
    pl.kernel,
    mesh=_MESH,
    out_type=jax.ShapeDtypeStruct((NC * NP, D), jnp.float32),
    scratch_types=[
        pltpu.VMEM((CHUNK,), jnp.int32),
        pltpu.VMEM((CHUNK, D), jnp.float32),
        pltpu.VMEM_SHARED((NP, D), jnp.float32),
    ],
)
def _sc_count(dst_hbm, zrows_hbm, acc_hbm, dbuf, ones_rows, acc_sh):
    c = lax.axis_index("c")
    s = lax.axis_index("s")
    wid = s * NC + c
    r0 = s * ROWS_PER_TILE

    def fill(t, carry):
        ones_rows[t // 8, pl.ds((t % 8) * 16, 16)] = jnp.ones((16,),
                                                              jnp.float32)
        return carry

    lax.fori_loop(0, CHUNK * (D // 16), fill, 0)
    pltpu.sync_copy(zrows_hbm, acc_sh.at[pl.ds(r0, ROWS_PER_TILE)])
    plsc.subcore_barrier()

    def step(i, carry):
        pltpu.sync_copy(dst_hbm.at[wid, i], dbuf)
        pltpu.sync_copy(ones_rows, acc_sh.at[dbuf], add=True)
        return carry

    lax.fori_loop(0, NCHUNK, step, 0)
    plsc.subcore_barrier()
    pltpu.sync_copy(acc_sh.at[pl.ds(r0, ROWS_PER_TILE)],
                    acc_hbm.at[pl.ds(c * NP + r0, ROWS_PER_TILE)])


BLK = 1000


def _tc_k0_body(x_ref, w_ref, h_ref):
    h_ref[...] = jnp.dot(x_ref[...], w_ref[...],
                         preferred_element_type=jnp.float32)


def _tc_k1_body(h_ref, degp_ref, g_ref, dis_ref):
    dis = lax.rsqrt(degp_ref[0, :, :1] + degp_ref[1, :, :1] + 1.0)
    g_ref[...] = h_ref[...] * dis
    dis_ref[...] = dis


def _tc_k2_body(acc_ref, g1_ref, dis_ref, b1_ref, w2_ref, g2_ref):
    dis = dis_ref[...]
    out1 = dis * (acc_ref[0] + acc_ref[1] + g1_ref[...]) + b1_ref[...]
    g2_ref[...] = jnp.dot(out1, w2_ref[...],
                          preferred_element_type=jnp.float32) * dis


def _tc_k3_body(acc_ref, g2_ref, dis_ref, b2_ref, out_ref):
    out_ref[...] = (dis_ref[...] * (acc_ref[0] + acc_ref[1] + g2_ref[...])
                    + b2_ref[...])


_row_blk = pl.BlockSpec((BLK, D), lambda i: (i, 0))
_col_blk = pl.BlockSpec((BLK, 1), lambda i: (i, 0))
_mat_blk = pl.BlockSpec((D, D), lambda i: (0, 0))
_bias_blk = pl.BlockSpec((1, D), lambda i: (0, 0))
_acc_blk = pl.BlockSpec((NC, BLK, D), lambda i: (0, i, 0))

_tc_k0 = pl.pallas_call(
    _tc_k0_body,
    grid=(N // BLK,),
    in_specs=[_row_blk, _mat_blk],
    out_specs=_row_blk,
    out_shape=jax.ShapeDtypeStruct((N, D), jnp.float32),
)

_tc_k1 = pl.pallas_call(
    _tc_k1_body,
    grid=(N // BLK,),
    in_specs=[_row_blk, pl.BlockSpec((NC, BLK, 1), lambda i: (0, i, 0))],
    out_specs=[_row_blk, _col_blk],
    out_shape=[jax.ShapeDtypeStruct((N, D), jnp.float32),
               jax.ShapeDtypeStruct((N, 1), jnp.float32)],
)

_tc_k2 = pl.pallas_call(
    _tc_k2_body,
    grid=(N // BLK,),
    in_specs=[_acc_blk, _row_blk, _col_blk, _bias_blk, _mat_blk],
    out_specs=_row_blk,
    out_shape=jax.ShapeDtypeStruct((N, D), jnp.float32),
)

_tc_k3 = pl.pallas_call(
    _tc_k3_body,
    grid=(N // BLK,),
    in_specs=[_acc_blk, _row_blk, _col_blk, _bias_blk],
    out_specs=_row_blk,
    out_shape=jax.ShapeDtypeStruct((N, D), jnp.float32),
)


@jax.jit
def kernel(x, edge_index, W1, b1, W2, b2):
    src = edge_index[0].astype(jnp.int32).reshape(NW, NCHUNK, CHUNK)
    dst = edge_index[1].astype(jnp.int32).reshape(NW, NCHUNK, CHUNK)
    zeros_rows = jnp.zeros((ROWS_PER_TILE, D), jnp.float32)

    h1 = _tc_k0(x, W1)
    degacc = _sc_count(dst, zeros_rows).reshape(NC, NP, D)
    g1, dis = _tc_k1(h1, degacc[:, :, :1])
    acc1 = _sc_scatter(g1, src, dst, zeros_rows).reshape(NC, NP, D)
    g2 = _tc_k2(acc1, g1, dis, b1.reshape(1, D), W2)
    acc2 = _sc_scatter(g2, src, dst, zeros_rows).reshape(NC, NP, D)
    return _tc_k3(acc2, g2, dis, b2.reshape(1, D))

# --- scband reference (transcript-rebuilt; emitter-appended) ---
"""Pipeline reference for scband-gcn-1005022347601 (READ-ONLY COPY).

The authoritative reference and input builder live on the scoring server;
editing this copy changes nothing except your own understanding.
"""

import jax, jax.numpy as jnp
import numpy as np

N_NODES = 10000
N_EDGES = 320000
D_IN = 128
D_HID = 128


def gcn_conv(x, edge_index, W, b):
    # Faithful PyG GCNConv: add self-loops, symmetric normalization,
    # linear transform, scatter-add aggregation, bias.
    N = x.shape[0]
    src = edge_index[0]
    dst = edge_index[1]
    loop = jnp.arange(N, dtype=src.dtype)
    src = jnp.concatenate([src, loop])
    dst = jnp.concatenate([dst, loop])
    # degree w.r.t. destination nodes (edge weight = 1)
    deg = jnp.zeros((N,), dtype=x.dtype).at[dst].add(1.0)
    deg_inv_sqrt = jnp.where(deg > 0, 1.0 / jnp.sqrt(deg), 0.0)
    norm = deg_inv_sqrt[src] * deg_inv_sqrt[dst]
    h = x @ W  # linear transform first
    msg = h[src] * norm[:, None]  # gather + scale
    out = jnp.zeros((N, W.shape[1]), dtype=x.dtype).at[dst].add(msg)  # scatter-add
    return out + b


def setup_inputs(seed: int = 0) -> dict:
    key = jax.random.key(seed)
    k_x, k_e, k_w1, k_w2 = jax.random.split(key, 4)
    x = jax.random.normal(k_x, (N_NODES, D_IN), dtype=jnp.float32)
    edge_index = jax.random.randint(k_e, (2, N_EDGES), 0, N_NODES, dtype=jnp.int64)
    # Glorot-style init like PyG GCNConv linear layers
    s1 = float(np.sqrt(6.0 / (D_IN + D_HID)))
    W1 = jax.random.uniform(k_w1, (D_IN, D_HID), dtype=jnp.float32, minval=-s1, maxval=s1)
    b1 = jnp.zeros((D_HID,), dtype=jnp.float32)
    s2 = float(np.sqrt(6.0 / (D_HID + D_HID)))
    W2 = jax.random.uniform(k_w2, (D_HID, D_HID), dtype=jnp.float32, minval=-s2, maxval=s2)
    b2 = jnp.zeros((D_HID,), dtype=jnp.float32)
    return {"x": x, "edge_index": edge_index, "W1": W1, "b1": b1, "W2": W2, "b2": b2}


def reference(x, edge_index, W1, b1, W2, b2):
    # GCN.forward: sequential GCNConv layers, no activation between (faithful to source)
    h = gcn_conv(x, edge_index, W1, b1)
    h = gcn_conv(h, edge_index, W2, b2)
    return h

if __name__ == "__main__":
    import jax
    _d = setup_inputs()
    print(jax.jit(kernel)(*tuple(_d.values())))

</pallas_src>

<mosaic_0001>
#map = affine_map<(d0, d1) -> (0, 0, 0)>
#map1 = affine_map<(d0, d1) -> (0, 0)>
module attributes {stable_mosaic.version = 14 : i64} {
  func.func @_sc_count(%arg0: i32, %arg1: i32, %arg2: memref<32x125x80xi32, #tpu.memory_space<hbm>>, %arg3: memref<640x128xf32, #tpu.memory_space<hbm>>, %arg4: memref<20480x128xf32, #tpu.memory_space<hbm>>, %arg5: memref<80xi32, #tpu.memory_space<vmem>>, %arg6: memref<80x128xf32, #tpu.memory_space<vmem>>, %arg7: memref<10240x128xf32, #tpu.memory_space<vmem_shared>>) attributes {dimension_semantics = [#tpu.dimension_semantics<core_parallel>, #tpu.dimension_semantics<subcore_parallel>], iteration_bounds = array<i64: 2, 16>, scalar_prefetch = 0 : i64, scratch_operands = 3 : i64, tpu.core_type = #tpu.core_type<sc_vector_subcore>, window_params = [{transform_indices = #map}, {transform_indices = #map1}, {transform_indices = #map1}]} {
    %mul3A = arith.constant 2 : i32
    %mul3A_0 = arith.muli %arg1, %mul3A : i32
    %add3A = arith.addi %mul3A_0, %arg0 : i32
    %mul3A_1 = arith.constant 640 : i32
    %mul3A_2 = arith.muli %arg1, %mul3A_1 : i32
    %scan3A = arith.constant 0 : i32
    %scan3A_3 = arith.constant 0 : i32
    %scan3A_4 = arith.constant 640 : i32
    %scan3A_5 = arith.addi %scan3A_3, %scan3A_4 : i32
    %scan3A_6 = arith.constant 1 : i32
    scf.for %scan3A_18 = %scan3A_3 to %scan3A_5 step %scan3A_6  : i32 {
      %broadcast_in_dim3A = arith.constant 1.000000e+00 : f32
      %broadcast_in_dim3A_19 = vector.broadcast %broadcast_in_dim3A : f32 to vector<16xf32>
      %jit3A = arith.constant 8 : i32
      %div3A = arith.divsi %scan3A_18, %jit3A : i32
      %sign3A = arith.constant 0 : i32
      %sign3A_20 = arith.cmpi sgt, %scan3A_18, %sign3A : i32
      %sign3A_21 = arith.extui %sign3A_20 : i1 to i32
      %sign3A_22 = arith.constant 0 : i32
      %sign3A_23 = arith.cmpi slt, %scan3A_18, %sign3A_22 : i32
      %sign3A_24 = arith.extui %sign3A_23 : i1 to i32
      %sign3A_25 = arith.subi %sign3A_21, %sign3A_24 : i32
      %sign3A_26 = arith.constant 0 : i32
      %sign3A_27 = arith.cmpi sgt, %jit3A, %sign3A_26 : i32
      %sign3A_28 = arith.extui %sign3A_27 : i1 to i32
      %sign3A_29 = arith.constant 0 : i32
      %sign3A_30 = arith.cmpi slt, %jit3A, %sign3A_29 : i32
      %sign3A_31 = arith.extui %sign3A_30 : i1 to i32
      %sign3A_32 = arith.subi %sign3A_28, %sign3A_31 : i32
      %ne3A = arith.cmpi ne, %sign3A_25, %sign3A_32 : i32
      %rem3A = arith.remsi %scan3A_18, %jit3A : i32
      %ne3A_33 = arith.constant 0 : i32
      %ne3A_34 = arith.cmpi ne, %rem3A, %ne3A_33 : i32
      %and3A = arith.andi %ne3A, %ne3A_34 : i1
      %sub3A = arith.constant 1 : i32
      %sub3A_35 = arith.subi %div3A, %sub3A : i32
      %select_n3A = arith.select %and3A, %sub3A_35, %div3A : i32
      %jit3A_36 = arith.constant 8 : i32
      %eq3A = arith.constant 0 : i32
      %eq3A_37 = arith.cmpi eq, %jit3A_36, %eq3A : i32
      %jit3A_38 = arith.constant 1 : i32
      %select_n3A_39 = arith.select %eq3A_37, %jit3A_38, %jit3A_36 : i32
      %rem3A_40 = arith.remsi %scan3A_18, %select_n3A_39 : i32
      %ne3A_41 = arith.constant 0 : i32
      %ne3A_42 = arith.cmpi ne, %rem3A_40, %ne3A_41 : i32
      %lt3A = arith.constant 0 : i32
      %lt3A_43 = arith.cmpi slt, %rem3A_40, %lt3A : i32
      %lt3A_44 = arith.constant 0 : i32
      %lt3A_45 = arith.cmpi slt, %select_n3A_39, %lt3A_44 : i32
      %ne3A_46 = arith.xori %lt3A_43, %lt3A_45 : i1
      %and3A_47 = arith.andi %ne3A_46, %ne3A_42 : i1
      %add3A_48 = arith.addi %rem3A_40, %select_n3A_39 : i32
      %select_n3A_49 = arith.select %and3A_47, %add3A_48, %rem3A_40 : i32
      %mul3A_50 = arith.constant 16 : i32
      %mul3A_51 = arith.muli %select_n3A_49, %mul3A_50 : i32
      %swap3A = arith.index_cast %select_n3A : i32 to index
      %swap3A_52 = arith.index_cast %mul3A_51 : i32 to index
      %swap3A_53 = tpu.vector_load %arg6[%swap3A, %swap3A_52] {strides = array<i32>} : memref<80x128xf32, #tpu.memory_space<vmem>>, vector<1x16xf32>,
      %swap3A_54 = vector.shape_cast %swap3A_53 : vector<1x16xf32> to vector<16xf32>
      %swap3A_55 = vector.shape_cast %broadcast_in_dim3A_19 : vector<16xf32> to vector<1x16xf32>
      tpu.vector_store %arg6[%swap3A, %swap3A_52], %swap3A_55 {strides = array<i32>} : memref<80x128xf32, #tpu.memory_space<vmem>>, vector<1x16xf32>,
    }
    %scan3A_7 = arith.constant 640 : i32
    "tpu.region"() ({
      %run_scoped3A = tpu.sem_alloc : memref<!tpu.dma_semaphore, #tpu.memory_space<semaphore_mem>>
      %dma_start3A = arith.constant 0 : i32
      %dma_start3A_18 = tpu.memref_slice %arg7[%mul3A_2, %dma_start3A] : memref<10240x128xf32, #tpu.memory_space<vmem_shared>> -> memref<640x128xf32, #tpu.memory_space<vmem_shared>>
      tpu.enqueue_dma source(%arg3 : memref<640x128xf32, #tpu.memory_space<hbm>>) target(%dma_start3A_18 : memref<640x128xf32, #tpu.memory_space<vmem_shared>>) target_semaphore(%run_scoped3A : memref<!tpu.dma_semaphore, #tpu.memory_space<semaphore_mem>>)
      %dma_wait3A = arith.constant 0 : i32
      %dma_wait3A_19 = tpu.memref_slice %arg7[%mul3A_2, %dma_wait3A] : memref<10240x128xf32, #tpu.memory_space<vmem_shared>> -> memref<640x128xf32, #tpu.memory_space<vmem_shared>>
      tpu.wait_dma2 semaphore(%run_scoped3A : memref<!tpu.dma_semaphore, #tpu.memory_space<semaphore_mem>>) src(%arg3 : memref<640x128xf32, #tpu.memory_space<hbm>>) dst(%dma_wait3A_19 : memref<640x128xf32, #tpu.memory_space<vmem_shared>>)
      tpu.yield
    }) : () -> ()
    %barrier3A = arith.constant 0 : index
    tpu.barrier barrier_id(%barrier3A)
    %scan3A_8 = arith.constant 0 : i32
    %scan3A_9 = arith.constant 0 : i32
    %scan3A_10 = arith.constant 125 : i32
    %scan3A_11 = arith.addi %scan3A_9, %scan3A_10 : i32
    %scan3A_12 = arith.constant 1 : i32
    scf.for %scan3A_18 = %scan3A_9 to %scan3A_11 step %scan3A_12  : i32 {
      "tpu.region"() ({
        %run_scoped3A = tpu.sem_alloc : memref<!tpu.dma_semaphore, #tpu.memory_space<semaphore_mem>>
        %dma_start3A = arith.constant 0 : i32
        %dma_start3A_19 = tpu.memref_slice %arg2[%add3A, %scan3A_18, %dma_start3A] : memref<32x125x80xi32, #tpu.memory_space<hbm>> -> memref<1x1x80xi32, #tpu.memory_space<hbm>>
        %dma_start3A_20 = tpu.memref_squeeze %dma_start3A_19 : memref<1x1x80xi32, #tpu.memory_space<hbm>> -> memref<80xi32, #tpu.memory_space<hbm>>
        %dma_start3A_21 = arith.constant 0 : i32
        %dma_start3A_22 = tpu.memref_slice %arg2[%add3A, %scan3A_18, %dma_start3A_21] : memref<32x125x80xi32, #tpu.memory_space<hbm>> -> memref<1x1x80xi32, #tpu.memory_space<hbm>>
        %dma_start3A_23 = tpu.memref_squeeze %dma_start3A_22 : memref<1x1x80xi32, #tpu.memory_space<hbm>> -> memref<80xi32, #tpu.memory_space<hbm>>
        tpu.enqueue_dma source(%dma_start3A_23 : memref<80xi32, #tpu.memory_space<hbm>>) target(%arg5 : memref<80xi32, #tpu.memory_space<vmem>>) target_semaphore(%run_scoped3A : memref<!tpu.dma_semaphore, #tpu.memory_space<semaphore_mem>>)
        %dma_wait3A = arith.constant 0 : i32
        %dma_wait3A_24 = tpu.memref_slice %arg2[%add3A, %scan3A_18, %dma_wait3A] : memref<32x125x80xi32, #tpu.memory_space<hbm>> -> memref<1x1x80xi32, #tpu.memory_space<hbm>>
        %dma_wait3A_25 = tpu.memref_squeeze %dma_wait3A_24 : memref<1x1x80xi32, #tpu.memory_space<hbm>> -> memref<80xi32, #tpu.memory_space<hbm>>
        %dma_wait3A_26 = arith.constant 0 : i32
        %dma_wait3A_27 = tpu.memref_slice %arg2[%add3A, %scan3A_18, %dma_wait3A_26] : memref<32x125x80xi32, #tpu.memory_space<hbm>> -> memref<1x1x80xi32, #tpu.memory_space<hbm>>
        %dma_wait3A_28 = tpu.memref_squeeze %dma_wait3A_27 : memref<1x1x80xi32, #tpu.memory_space<hbm>> -> memref<80xi32, #tpu.memory_space<hbm>>
        tpu.wait_dma2 semaphore(%run_scoped3A : memref<!tpu.dma_semaphore, #tpu.memory_space<semaphore_mem>>) src(%dma_wait3A_28 : memref<80xi32, #tpu.memory_space<hbm>>) dst(%arg5 : memref<80xi32, #tpu.memory_space<vmem>>)
        tpu.yield
      }) : () -> ()
      "tpu.region"() ({
        %run_scoped3A = tpu.sem_alloc : memref<!tpu.dma_semaphore, #tpu.memory_space<semaphore_mem>>
        %dma_start3A = arith.constant 0 : i32
        %dma_start3A_19 = arith.constant 0 : i32
        %dma_start3A_20 = tpu.memref_slice %arg7[%dma_start3A, %dma_start3A_19] : memref<10240x128xf32, #tpu.memory_space<vmem_shared>> -> memref<10240x128xf32, #tpu.memory_space<vmem_shared>>
        tpu.enqueue_indirect_dma source(%arg6 : memref<80x128xf32, #tpu.memory_space<vmem>>) target(%dma_start3A_20 : memref<10240x128xf32, #tpu.memory_space<vmem_shared>>) offsets(%arg5 : memref<80xi32, #tpu.memory_space<vmem>>) semaphore(%run_scoped3A : memref<!tpu.dma_semaphore, #tpu.memory_space<semaphore_mem>>) {add = true}
        %dma_wait3A = arith.constant 0 : i32
        %dma_wait3A_21 = arith.constant 0 : i32
        %dma_wait3A_22 = tpu.memref_slice %arg7[%dma_wait3A, %dma_wait3A_21] : memref<10240x128xf32, #tpu.memory_space<vmem_shared>> -> memref<10240x128xf32, #tpu.memory_space<vmem_shared>>
        tpu.wait_indirect_dma semaphore(%run_scoped3A : memref<!tpu.dma_semaphore, #tpu.memory_space<semaphore_mem>>) src(%arg6 : memref<80x128xf32, #tpu.memory_space<vmem>>) dst(%dma_wait3A_22 : memref<10240x128xf32, #tpu.memory_space<vmem_shared>>)
        tpu.yield
      }) : () -> ()
    }
    %scan3A_13 = arith.constant 125 : i32
    %barrier3A_14 = arith.constant 0 : index
    tpu.barrier barrier_id(%barrier3A_14)
    %mul3A_15 = arith.constant 10240 : i32
    %mul3A_16 = arith.muli %arg0, %mul3A_15 : i32
    %add3A_17 = arith.addi %mul3A_16, %mul3A_2 : i32
    "tpu.region"() ({
      %run_scoped3A = tpu.sem_alloc : memref<!tpu.dma_semaphore, #tpu.memory_space<semaphore_mem>>
      %dma_start3A = arith.constant 0 : i32
      %dma_start3A_18 = tpu.memref_slice %arg4[%add3A_17, %dma_start3A] : memref<20480x128xf32, #tpu.memory_space<hbm>> -> memref<640x128xf32, #tpu.memory_space<hbm>>
      %dma_start3A_19 = arith.constant 0 : i32
      %dma_start3A_20 = tpu.memref_slice %arg7[%mul3A_2, %dma_start3A_19] : memref<10240x128xf32, #tpu.memory_space<vmem_shared>> -> memref<640x128xf32, #tpu.memory_space<vmem_shared>>
      tpu.enqueue_dma source(%dma_start3A_20 : memref<640x128xf32, #tpu.memory_space<vmem_shared>>) target(%dma_start3A_18 : memref<640x128xf32, #tpu.memory_space<hbm>>) target_semaphore(%run_scoped3A : memref<!tpu.dma_semaphore, #tpu.memory_space<semaphore_mem>>)
      %dma_wait3A = arith.constant 0 : i32
      %dma_wait3A_21 = tpu.memref_slice %arg4[%add3A_17, %dma_wait3A] : memref<20480x128xf32, #tpu.memory_space<hbm>> -> memref<640x128xf32, #tpu.memory_space<hbm>>
      %dma_wait3A_22 = arith.constant 0 : i32
      %dma_wait3A_23 = tpu.memref_slice %arg7[%mul3A_2, %dma_wait3A_22] : memref<10240x128xf32, #tpu.memory_space<vmem_shared>> -> memref<640x128xf32, #tpu.memory_space<vmem_shared>>
      tpu.wait_dma2 semaphore(%run_scoped3A : memref<!tpu.dma_semaphore, #tpu.memory_space<semaphore_mem>>) src(%dma_wait3A_23 : memref<640x128xf32, #tpu.memory_space<vmem_shared>>) dst(%dma_wait3A_21 : memref<640x128xf32, #tpu.memory_space<hbm>>)
      tpu.yield
    }) : () -> ()
    return
  }
}

#map = affine_map<(d0, d1) -> (0, 0)>
#map1 = affine_map<(d0, d1) -> (0, 0, 0)>
module attributes {stable_mosaic.version = 14 : i64} {
  func.func @_sc_scatter(%arg0: i32, %arg1: i32, %arg2: memref<10000x128xf32, #tpu.memory_space<hbm>>, %arg3: memref<32x125x80xi32, #tpu.memory_space<hbm>>, %arg4: memref<32x125x80xi32, #tpu.memory_space<hbm>>, %arg5: memref<640x128xf32, #tpu.memory_space<hbm>>, %arg6: memref<20480x128xf32, #tpu.memory_space<hbm>>, %arg7: memref<80xi32, #tpu.memory_space<vmem>>, %arg8: memref<80xi32, #tpu.memory_space<vmem>>, %arg9: memref<80x128xf32, #tpu.memory_space<vmem>>, %arg10: memref<10240x128xf32, #tpu.memory_space<vmem_shared>>, %arg11: memref<!tpu.dma_semaphore, #tpu.memory_space<semaphore_mem>>) attributes {dimension_semantics = [#tpu.dimension_semantics<core_parallel>, #tpu.dimension_semantics<subcore_parallel>], iteration_bounds = array<i64: 2, 16>, scalar_prefetch = 0 : i64, scratch_operands = 5 : i64, tpu.core_type = #tpu.core_type<sc_vector_subcore>, window_params = [{transform_indices = #map}, {transform_indices = #map1}, {transform_indices = #map1}, {transform_indices = #map}, {transform_indices = #map}]} {
    %mul3A = arith.constant 2 : i32
    %mul3A_0 = arith.muli %arg1, %mul3A : i32
    %add3A = arith.addi %mul3A_0, %arg0 : i32
    %mul3A_1 = arith.constant 640 : i32
    %mul3A_2 = arith.muli %arg1, %mul3A_1 : i32
    "tpu.region"() ({
      %run_scoped3A = tpu.sem_alloc : memref<!tpu.dma_semaphore, #tpu.memory_space<semaphore_mem>>
      %dma_start3A = arith.constant 0 : i32
      %dma_start3A_12 = tpu.memref_slice %arg10[%mul3A_2, %dma_start3A] : memref<10240x128xf32, #tpu.memory_space<vmem_shared>> -> memref<640x128xf32, #tpu.memory_space<vmem_shared>>
      tpu.enqueue_dma source(%arg5 : memref<640x128xf32, #tpu.memory_space<hbm>>) target(%dma_start3A_12 : memref<640x128xf32, #tpu.memory_space<vmem_shared>>) target_semaphore(%run_scoped3A : memref<!tpu.dma_semaphore, #tpu.memory_space<semaphore_mem>>)
      %dma_wait3A = arith.constant 0 : i32
      %dma_wait3A_13 = tpu.memref_slice %arg10[%mul3A_2, %dma_wait3A] : memref<10240x128xf32, #tpu.memory_space<vmem_shared>> -> memref<640x128xf32, #tpu.memory_space<vmem_shared>>
      tpu.wait_dma2 semaphore(%run_scoped3A : memref<!tpu.dma_semaphore, #tpu.memory_space<semaphore_mem>>) src(%arg5 : memref<640x128xf32, #tpu.memory_space<hbm>>) dst(%dma_wait3A_13 : memref<640x128xf32, #tpu.memory_space<vmem_shared>>)
      tpu.yield
    }) : () -> ()
    %barrier3A = arith.constant 0 : index
    tpu.barrier barrier_id(%barrier3A)
    %scan3A = arith.constant 0 : i32
    %scan3A_3 = arith.constant 0 : i32
    %scan3A_4 = arith.constant 125 : i32
    %scan3A_5 = arith.addi %scan3A_3, %scan3A_4 : i32
    %scan3A_6 = arith.constant 1 : i32
    scf.for %scan3A_12 = %scan3A_3 to %scan3A_5 step %scan3A_6  : i32 {
      "tpu.region"() ({
        %run_scoped3A = tpu.sem_alloc : memref<!tpu.dma_semaphore, #tpu.memory_space<semaphore_mem>>
        %dma_start3A_17 = arith.constant 0 : i32
        %dma_start3A_18 = tpu.memref_slice %arg3[%add3A, %scan3A_12, %dma_start3A_17] : memref<32x125x80xi32, #tpu.memory_space<hbm>> -> memref<1x1x80xi32, #tpu.memory_space<hbm>>
        %dma_start3A_19 = tpu.memref_squeeze %dma_start3A_18 : memref<1x1x80xi32, #tpu.memory_space<hbm>> -> memref<80xi32, #tpu.memory_space<hbm>>
        %dma_start3A_20 = arith.constant 0 : i32
        %dma_start3A_21 = tpu.memref_slice %arg3[%add3A, %scan3A_12, %dma_start3A_20] : memref<32x125x80xi32, #tpu.memory_space<hbm>> -> memref<1x1x80xi32, #tpu.memory_space<hbm>>
        %dma_start3A_22 = tpu.memref_squeeze %dma_start3A_21 : memref<1x1x80xi32, #tpu.memory_space<hbm>> -> memref<80xi32, #tpu.memory_space<hbm>>
        tpu.enqueue_dma source(%dma_start3A_22 : memref<80xi32, #tpu.memory_space<hbm>>) target(%arg7 : memref<80xi32, #tpu.memory_space<vmem>>) target_semaphore(%run_scoped3A : memref<!tpu.dma_semaphore, #tpu.memory_space<semaphore_mem>>)
        %dma_wait3A_23 = arith.constant 0 : i32
        %dma_wait3A_24 = tpu.memref_slice %arg3[%add3A, %scan3A_12, %dma_wait3A_23] : memref<32x125x80xi32, #tpu.memory_space<hbm>> -> memref<1x1x80xi32, #tpu.memory_space<hbm>>
        %dma_wait3A_25 = tpu.memref_squeeze %dma_wait3A_24 : memref<1x1x80xi32, #tpu.memory_space<hbm>> -> memref<80xi32, #tpu.memory_space<hbm>>
        %dma_wait3A_26 = arith.constant 0 : i32
        %dma_wait3A_27 = tpu.memref_slice %arg3[%add3A, %scan3A_12, %dma_wait3A_26] : memref<32x125x80xi32, #tpu.memory_space<hbm>> -> memref<1x1x80xi32, #tpu.memory_space<hbm>>
        %dma_wait3A_28 = tpu.memref_squeeze %dma_wait3A_27 : memref<1x1x80xi32, #tpu.memory_space<hbm>> -> memref<80xi32, #tpu.memory_space<hbm>>
        tpu.wait_dma2 semaphore(%run_scoped3A : memref<!tpu.dma_semaphore, #tpu.memory_space<semaphore_mem>>) src(%dma_wait3A_28 : memref<80xi32, #tpu.memory_space<hbm>>) dst(%arg7 : memref<80xi32, #tpu.memory_space<vmem>>)
        tpu.yield
      }) : () -> ()
      "tpu.region"() ({
        %run_scoped3A = tpu.sem_alloc : memref<!tpu.dma_semaphore, #tpu.memory_space<semaphore_mem>>
        %dma_start3A_17 = arith.constant 0 : i32
        %dma_start3A_18 = tpu.memref_slice %arg4[%add3A, %scan3A_12, %dma_start3A_17] : memref<32x125x80xi32, #tpu.memory_space<hbm>> -> memref<1x1x80xi32, #tpu.memory_space<hbm>>
        %dma_start3A_19 = tpu.memref_squeeze %dma_start3A_18 : memref<1x1x80xi32, #tpu.memory_space<hbm>> -> memref<80xi32, #tpu.memory_space<hbm>>
        %dma_start3A_20 = arith.constant 0 : i32
        %dma_start3A_21 = tpu.memref_slice %arg4[%add3A, %scan3A_12, %dma_start3A_20] : memref<32x125x80xi32, #tpu.memory_space<hbm>> -> memref<1x1x80xi32, #tpu.memory_space<hbm>>
        %dma_start3A_22 = tpu.memref_squeeze %dma_start3A_21 : memref<1x1x80xi32, #tpu.memory_space<hbm>> -> memref<80xi32, #tpu.memory_space<hbm>>
        tpu.enqueue_dma source(%dma_start3A_22 : memref<80xi32, #tpu.memory_space<hbm>>) target(%arg8 : memref<80xi32, #tpu.memory_space<vmem>>) target_semaphore(%run_scoped3A : memref<!tpu.dma_semaphore, #tpu.memory_space<semaphore_mem>>)
        %dma_wait3A_23 = arith.constant 0 : i32
        %dma_wait3A_24 = tpu.memref_slice %arg4[%add3A, %scan3A_12, %dma_wait3A_23] : memref<32x125x80xi32, #tpu.memory_space<hbm>> -> memref<1x1x80xi32, #tpu.memory_space<hbm>>
        %dma_wait3A_25 = tpu.memref_squeeze %dma_wait3A_24 : memref<1x1x80xi32, #tpu.memory_space<hbm>> -> memref<80xi32, #tpu.memory_space<hbm>>
        %dma_wait3A_26 = arith.constant 0 : i32
        %dma_wait3A_27 = tpu.memref_slice %arg4[%add3A, %scan3A_12, %dma_wait3A_26] : memref<32x125x80xi32, #tpu.memory_space<hbm>> -> memref<1x1x80xi32, #tpu.memory_space<hbm>>
        %dma_wait3A_28 = tpu.memref_squeeze %dma_wait3A_27 : memref<1x1x80xi32, #tpu.memory_space<hbm>> -> memref<80xi32, #tpu.memory_space<hbm>>
        tpu.wait_dma2 semaphore(%run_scoped3A : memref<!tpu.dma_semaphore, #tpu.memory_space<semaphore_mem>>) src(%dma_wait3A_28 : memref<80xi32, #tpu.memory_space<hbm>>) dst(%arg8 : memref<80xi32, #tpu.memory_space<vmem>>)
        tpu.yield
      }) : () -> ()
      %dma_start3A = arith.constant 0 : i32
      %dma_start3A_13 = arith.constant 0 : i32
      %dma_start3A_14 = tpu.memref_slice %arg2[%dma_start3A, %dma_start3A_13] : memref<10000x128xf32, #tpu.memory_space<hbm>> -> memref<10000x128xf32, #tpu.memory_space<hbm>>
      tpu.enqueue_indirect_dma source(%dma_start3A_14 : memref<10000x128xf32, #tpu.memory_space<hbm>>) target(%arg9 : memref<80x128xf32, #tpu.memory_space<vmem>>) offsets(%arg7 : memref<80xi32, #tpu.memory_space<vmem>>) semaphore(%arg11 : memref<!tpu.dma_semaphore, #tpu.memory_space<semaphore_mem>>)
      %dma_wait3A = arith.constant 0 : i32
      %dma_wait3A_15 = arith.constant 0 : i32
      %dma_wait3A_16 = tpu.memref_slice %arg2[%dma_wait3A, %dma_wait3A_15] : memref<10000x128xf32, #tpu.memory_space<hbm>> -> memref<10000x128xf32, #tpu.memory_space<hbm>>
      tpu.wait_indirect_dma semaphore(%arg11 : memref<!tpu.dma_semaphore, #tpu.memory_space<semaphore_mem>>) src(%dma_wait3A_16 : memref<10000x128xf32, #tpu.memory_space<hbm>>) dst(%arg9 : memref<80x128xf32, #tpu.memory_space<vmem>>)
      "tpu.region"() ({
        %run_scoped3A = tpu.sem_alloc : memref<!tpu.dma_semaphore, #tpu.memory_space<semaphore_mem>>
        %dma_start3A_17 = arith.constant 0 : i32
        %dma_start3A_18 = arith.constant 0 : i32
        %dma_start3A_19 = tpu.memref_slice %arg10[%dma_start3A_17, %dma_start3A_18] : memref<10240x128xf32, #tpu.memory_space<vmem_shared>> -> memref<10240x128xf32, #tpu.memory_space<vmem_shared>>
        tpu.enqueue_indirect_dma source(%arg9 : memref<80x128xf32, #tpu.memory_space<vmem>>) target(%dma_start3A_19 : memref<10240x128xf32, #tpu.memory_space<vmem_shared>>) offsets(%arg8 : memref<80xi32, #tpu.memory_space<vmem>>) semaphore(%run_scoped3A : memref<!tpu.dma_semaphore, #tpu.memory_space<semaphore_mem>>) {add = true}
        %dma_wait3A_20 = arith.constant 0 : i32
        %dma_wait3A_21 = arith.constant 0 : i32
        %dma_wait3A_22 = tpu.memref_slice %arg10[%dma_wait3A_20, %dma_wait3A_21] : memref<10240x128xf32, #tpu.memory_space<vmem_shared>> -> memref<10240x128xf32, #tpu.memory_space<vmem_shared>>
        tpu.wait_indirect_dma semaphore(%run_scoped3A : memref<!tpu.dma_semaphore, #tpu.memory_space<semaphore_mem>>) src(%arg9 : memref<80x128xf32, #tpu.memory_space<vmem>>) dst(%dma_wait3A_22 : memref<10240x128xf32, #tpu.memory_space<vmem_shared>>)
        tpu.yield
      }) : () -> ()
    }
    %scan3A_7 = arith.constant 125 : i32
    %barrier3A_8 = arith.constant 0 : index
    tpu.barrier barrier_id(%barrier3A_8)
    %mul3A_9 = arith.constant 10240 : i32
    %mul3A_10 = arith.muli %arg0, %mul3A_9 : i32
    %add3A_11 = arith.addi %mul3A_10, %mul3A_2 : i32
    "tpu.region"() ({
      %run_scoped3A = tpu.sem_alloc : memref<!tpu.dma_semaphore, #tpu.memory_space<semaphore_mem>>
      %dma_start3A = arith.constant 0 : i32
      %dma_start3A_12 = tpu.memref_slice %arg6[%add3A_11, %dma_start3A] : memref<20480x128xf32, #tpu.memory_space<hbm>> -> memref<640x128xf32, #tpu.memory_space<hbm>>
      %dma_start3A_13 = arith.constant 0 : i32
      %dma_start3A_14 = tpu.memref_slice %arg10[%mul3A_2, %dma_start3A_13] : memref<10240x128xf32, #tpu.memory_space<vmem_shared>> -> memref<640x128xf32, #tpu.memory_space<vmem_shared>>
      tpu.enqueue_dma source(%dma_start3A_14 : memref<640x128xf32, #tpu.memory_space<vmem_shared>>) target(%dma_start3A_12 : memref<640x128xf32, #tpu.memory_space<hbm>>) target_semaphore(%run_scoped3A : memref<!tpu.dma_semaphore, #tpu.memory_space<semaphore_mem>>)
      %dma_wait3A = arith.constant 0 : i32
      %dma_wait3A_15 = tpu.memref_slice %arg6[%add3A_11, %dma_wait3A] : memref<20480x128xf32, #tpu.memory_space<hbm>> -> memref<640x128xf32, #tpu.memory_space<hbm>>
      %dma_wait3A_16 = arith.constant 0 : i32
      %dma_wait3A_17 = tpu.memref_slice %arg10[%mul3A_2, %dma_wait3A_16] : memref<10240x128xf32, #tpu.memory_space<vmem_shared>> -> memref<640x128xf32, #tpu.memory_space<vmem_shared>>
      tpu.wait_dma2 semaphore(%run_scoped3A : memref<!tpu.dma_semaphore, #tpu.memory_space<semaphore_mem>>) src(%dma_wait3A_17 : memref<640x128xf32, #tpu.memory_space<vmem_shared>>) dst(%dma_wait3A_15 : memref<640x128xf32, #tpu.memory_space<hbm>>)
      tpu.yield
    }) : () -> ()
    return
  }
}

#map = affine_map<(d0, d1) -> (0, 0)>
#map1 = affine_map<(d0, d1) -> (0, 0, 0)>
module attributes {stable_mosaic.version = 14 : i64} {
  func.func @_sc_scatter(%arg0: i32, %arg1: i32, %arg2: memref<10000x128xf32, #tpu.memory_space<hbm>>, %arg3: memref<32x125x80xi32, #tpu.memory_space<hbm>>, %arg4: memref<32x125x80xi32, #tpu.memory_space<hbm>>, %arg5: memref<640x128xf32, #tpu.memory_space<hbm>>, %arg6: memref<20480x128xf32, #tpu.memory_space<hbm>>, %arg7: memref<80xi32, #tpu.memory_space<vmem>>, %arg8: memref<80xi32, #tpu.memory_space<vmem>>, %arg9: memref<80x128xf32, #tpu.memory_space<vmem>>, %arg10: memref<10240x128xf32, #tpu.memory_space<vmem_shared>>, %arg11: memref<!tpu.dma_semaphore, #tpu.memory_space<semaphore_mem>>) attributes {dimension_semantics = [#tpu.dimension_semantics<core_parallel>, #tpu.dimension_semantics<subcore_parallel>], iteration_bounds = array<i64: 2, 16>, scalar_prefetch = 0 : i64, scratch_operands = 5 : i64, tpu.core_type = #tpu.core_type<sc_vector_subcore>, window_params = [{transform_indices = #map}, {transform_indices = #map1}, {transform_indices = #map1}, {transform_indices = #map}, {transform_indices = #map}]} {
    %mul3A = arith.constant 2 : i32
    %mul3A_0 = arith.muli %arg1, %mul3A : i32
    %add3A = arith.addi %mul3A_0, %arg0 : i32
    %mul3A_1 = arith.constant 640 : i32
    %mul3A_2 = arith.muli %arg1, %mul3A_1 : i32
    "tpu.region"() ({
      %run_scoped3A = tpu.sem_alloc : memref<!tpu.dma_semaphore, #tpu.memory_space<semaphore_mem>>
      %dma_start3A = arith.constant 0 : i32
      %dma_start3A_12 = tpu.memref_slice %arg10[%mul3A_2, %dma_start3A] : memref<10240x128xf32, #tpu.memory_space<vmem_shared>> -> memref<640x128xf32, #tpu.memory_space<vmem_shared>>
      tpu.enqueue_dma source(%arg5 : memref<640x128xf32, #tpu.memory_space<hbm>>) target(%dma_start3A_12 : memref<640x128xf32, #tpu.memory_space<vmem_shared>>) target_semaphore(%run_scoped3A : memref<!tpu.dma_semaphore, #tpu.memory_space<semaphore_mem>>)
      %dma_wait3A = arith.constant 0 : i32
      %dma_wait3A_13 = tpu.memref_slice %arg10[%mul3A_2, %dma_wait3A] : memref<10240x128xf32, #tpu.memory_space<vmem_shared>> -> memref<640x128xf32, #tpu.memory_space<vmem_shared>>
      tpu.wait_dma2 semaphore(%run_scoped3A : memref<!tpu.dma_semaphore, #tpu.memory_space<semaphore_mem>>) src(%arg5 : memref<640x128xf32, #tpu.memory_space<hbm>>) dst(%dma_wait3A_13 : memref<640x128xf32, #tpu.memory_space<vmem_shared>>)
      tpu.yield
    }) : () -> ()
    %barrier3A = arith.constant 0 : index
    tpu.barrier barrier_id(%barrier3A)
    %scan3A = arith.constant 0 : i32
    %scan3A_3 = arith.constant 0 : i32
    %scan3A_4 = arith.constant 125 : i32
    %scan3A_5 = arith.addi %scan3A_3, %scan3A_4 : i32
    %scan3A_6 = arith.constant 1 : i32
    scf.for %scan3A_12 = %scan3A_3 to %scan3A_5 step %scan3A_6  : i32 {
      "tpu.region"() ({
        %run_scoped3A = tpu.sem_alloc : memref<!tpu.dma_semaphore, #tpu.memory_space<semaphore_mem>>
        %dma_start3A_17 = arith.constant 0 : i32
        %dma_start3A_18 = tpu.memref_slice %arg3[%add3A, %scan3A_12, %dma_start3A_17] : memref<32x125x80xi32, #tpu.memory_space<hbm>> -> memref<1x1x80xi32, #tpu.memory_space<hbm>>
        %dma_start3A_19 = tpu.memref_squeeze %dma_start3A_18 : memref<1x1x80xi32, #tpu.memory_space<hbm>> -> memref<80xi32, #tpu.memory_space<hbm>>
        %dma_start3A_20 = arith.constant 0 : i32
        %dma_start3A_21 = tpu.memref_slice %arg3[%add3A, %scan3A_12, %dma_start3A_20] : memref<32x125x80xi32, #tpu.memory_space<hbm>> -> memref<1x1x80xi32, #tpu.memory_space<hbm>>
        %dma_start3A_22 = tpu.memref_squeeze %dma_start3A_21 : memref<1x1x80xi32, #tpu.memory_space<hbm>> -> memref<80xi32, #tpu.memory_space<hbm>>
        tpu.enqueue_dma source(%dma_start3A_22 : memref<80xi32, #tpu.memory_space<hbm>>) target(%arg7 : memref<80xi32, #tpu.memory_space<vmem>>) target_semaphore(%run_scoped3A : memref<!tpu.dma_semaphore, #tpu.memory_space<semaphore_mem>>)
        %dma_wait3A_23 = arith.constant 0 : i32
        %dma_wait3A_24 = tpu.memref_slice %arg3[%add3A, %scan3A_12, %dma_wait3A_23] : memref<32x125x80xi32, #tpu.memory_space<hbm>> -> memref<1x1x80xi32, #tpu.memory_space<hbm>>
        %dma_wait3A_25 = tpu.memref_squeeze %dma_wait3A_24 : memref<1x1x80xi32, #tpu.memory_space<hbm>> -> memref<80xi32, #tpu.memory_space<hbm>>
        %dma_wait3A_26 = arith.constant 0 : i32
        %dma_wait3A_27 = tpu.memref_slice %arg3[%add3A, %scan3A_12, %dma_wait3A_26] : memref<32x125x80xi32, #tpu.memory_space<hbm>> -> memref<1x1x80xi32, #tpu.memory_space<hbm>>
        %dma_wait3A_28 = tpu.memref_squeeze %dma_wait3A_27 : memref<1x1x80xi32, #tpu.memory_space<hbm>> -> memref<80xi32, #tpu.memory_space<hbm>>
        tpu.wait_dma2 semaphore(%run_scoped3A : memref<!tpu.dma_semaphore, #tpu.memory_space<semaphore_mem>>) src(%dma_wait3A_28 : memref<80xi32, #tpu.memory_space<hbm>>) dst(%arg7 : memref<80xi32, #tpu.memory_space<vmem>>)
        tpu.yield
      }) : () -> ()
      "tpu.region"() ({
        %run_scoped3A = tpu.sem_alloc : memref<!tpu.dma_semaphore, #tpu.memory_space<semaphore_mem>>
        %dma_start3A_17 = arith.constant 0 : i32
        %dma_start3A_18 = tpu.memref_slice %arg4[%add3A, %scan3A_12, %dma_start3A_17] : memref<32x125x80xi32, #tpu.memory_space<hbm>> -> memref<1x1x80xi32, #tpu.memory_space<hbm>>
        %dma_start3A_19 = tpu.memref_squeeze %dma_start3A_18 : memref<1x1x80xi32, #tpu.memory_space<hbm>> -> memref<80xi32, #tpu.memory_space<hbm>>
        %dma_start3A_20 = arith.constant 0 : i32
        %dma_start3A_21 = tpu.memref_slice %arg4[%add3A, %scan3A_12, %dma_start3A_20] : memref<32x125x80xi32, #tpu.memory_space<hbm>> -> memref<1x1x80xi32, #tpu.memory_space<hbm>>
        %dma_start3A_22 = tpu.memref_squeeze %dma_start3A_21 : memref<1x1x80xi32, #tpu.memory_space<hbm>> -> memref<80xi32, #tpu.memory_space<hbm>>
        tpu.enqueue_dma source(%dma_start3A_22 : memref<80xi32, #tpu.memory_space<hbm>>) target(%arg8 : memref<80xi32, #tpu.memory_space<vmem>>) target_semaphore(%run_scoped3A : memref<!tpu.dma_semaphore, #tpu.memory_space<semaphore_mem>>)
        %dma_wait3A_23 = arith.constant 0 : i32
        %dma_wait3A_24 = tpu.memref_slice %arg4[%add3A, %scan3A_12, %dma_wait3A_23] : memref<32x125x80xi32, #tpu.memory_space<hbm>> -> memref<1x1x80xi32, #tpu.memory_space<hbm>>
        %dma_wait3A_25 = tpu.memref_squeeze %dma_wait3A_24 : memref<1x1x80xi32, #tpu.memory_space<hbm>> -> memref<80xi32, #tpu.memory_space<hbm>>
        %dma_wait3A_26 = arith.constant 0 : i32
        %dma_wait3A_27 = tpu.memref_slice %arg4[%add3A, %scan3A_12, %dma_wait3A_26] : memref<32x125x80xi32, #tpu.memory_space<hbm>> -> memref<1x1x80xi32, #tpu.memory_space<hbm>>
        %dma_wait3A_28 = tpu.memref_squeeze %dma_wait3A_27 : memref<1x1x80xi32, #tpu.memory_space<hbm>> -> memref<80xi32, #tpu.memory_space<hbm>>
        tpu.wait_dma2 semaphore(%run_scoped3A : memref<!tpu.dma_semaphore, #tpu.memory_space<semaphore_mem>>) src(%dma_wait3A_28 : memref<80xi32, #tpu.memory_space<hbm>>) dst(%arg8 : memref<80xi32, #tpu.memory_space<vmem>>)
        tpu.yield
      }) : () -> ()
      %dma_start3A = arith.constant 0 : i32
      %dma_start3A_13 = arith.constant 0 : i32
      %dma_start3A_14 = tpu.memref_slice %arg2[%dma_start3A, %dma_start3A_13] : memref<10000x128xf32, #tpu.memory_space<hbm>> -> memref<10000x128xf32, #tpu.memory_space<hbm>>
      tpu.enqueue_indirect_dma source(%dma_start3A_14 : memref<10000x128xf32, #tpu.memory_space<hbm>>) target(%arg9 : memref<80x128xf32, #tpu.memory_space<vmem>>) offsets(%arg7 : memref<80xi32, #tpu.memory_space<vmem>>) semaphore(%arg11 : memref<!tpu.dma_semaphore, #tpu.memory_space<semaphore_mem>>)
      %dma_wait3A = arith.constant 0 : i32
      %dma_wait3A_15 = arith.constant 0 : i32
      %dma_wait3A_16 = tpu.memref_slice %arg2[%dma_wait3A, %dma_wait3A_15] : memref<10000x128xf32, #tpu.memory_space<hbm>> -> memref<10000x128xf32, #tpu.memory_space<hbm>>
      tpu.wait_indirect_dma semaphore(%arg11 : memref<!tpu.dma_semaphore, #tpu.memory_space<semaphore_mem>>) src(%dma_wait3A_16 : memref<10000x128xf32, #tpu.memory_space<hbm>>) dst(%arg9 : memref<80x128xf32, #tpu.memory_space<vmem>>)
      "tpu.region"() ({
        %run_scoped3A = tpu.sem_alloc : memref<!tpu.dma_semaphore, #tpu.memory_space<semaphore_mem>>
        %dma_start3A_17 = arith.constant 0 : i32
        %dma_start3A_18 = arith.constant 0 : i32
        %dma_start3A_19 = tpu.memref_slice %arg10[%dma_start3A_17, %dma_start3A_18] : memref<10240x128xf32, #tpu.memory_space<vmem_shared>> -> memref<10240x128xf32, #tpu.memory_space<vmem_shared>>
        tpu.enqueue_indirect_dma source(%arg9 : memref<80x128xf32, #tpu.memory_space<vmem>>) target(%dma_start3A_19 : memref<10240x128xf32, #tpu.memory_space<vmem_shared>>) offsets(%arg8 : memref<80xi32, #tpu.memory_space<vmem>>) semaphore(%run_scoped3A : memref<!tpu.dma_semaphore, #tpu.memory_space<semaphore_mem>>) {add = true}
        %dma_wait3A_20 = arith.constant 0 : i32
        %dma_wait3A_21 = arith.constant 0 : i32
        %dma_wait3A_22 = tpu.memref_slice %arg10[%dma_wait3A_20, %dma_wait3A_21] : memref<10240x128xf32, #tpu.memory_space<vmem_shared>> -> memref<10240x128xf32, #tpu.memory_space<vmem_shared>>
        tpu.wait_indirect_dma semaphore(%run_scoped3A : memref<!tpu.dma_semaphore, #tpu.memory_space<semaphore_mem>>) src(%arg9 : memref<80x128xf32, #tpu.memory_space<vmem>>) dst(%dma_wait3A_22 : memref<10240x128xf32, #tpu.memory_space<vmem_shared>>)
        tpu.yield
      }) : () -> ()
    }
    %scan3A_7 = arith.constant 125 : i32
    %barrier3A_8 = arith.constant 0 : index
    tpu.barrier barrier_id(%barrier3A_8)
    %mul3A_9 = arith.constant 10240 : i32
    %mul3A_10 = arith.muli %arg0, %mul3A_9 : i32
    %add3A_11 = arith.addi %mul3A_10, %mul3A_2 : i32
    "tpu.region"() ({
      %run_scoped3A = tpu.sem_alloc : memref<!tpu.dma_semaphore, #tpu.memory_space<semaphore_mem>>
      %dma_start3A = arith.constant 0 : i32
      %dma_start3A_12 = tpu.memref_slice %arg6[%add3A_11, %dma_start3A] : memref<20480x128xf32, #tpu.memory_space<hbm>> -> memref<640x128xf32, #tpu.memory_space<hbm>>
      %dma_start3A_13 = arith.constant 0 : i32
      %dma_start3A_14 = tpu.memref_slice %arg10[%mul3A_2, %dma_start3A_13] : memref<10240x128xf32, #tpu.memory_space<vmem_shared>> -> memref<640x128xf32, #tpu.memory_space<vmem_shared>>
      tpu.enqueue_dma source(%dma_start3A_14 : memref<640x128xf32, #tpu.memory_space<vmem_shared>>) target(%dma_start3A_12 : memref<640x128xf32, #tpu.memory_space<hbm>>) target_semaphore(%run_scoped3A : memref<!tpu.dma_semaphore, #tpu.memory_space<semaphore_mem>>)
      %dma_wait3A = arith.constant 0 : i32
      %dma_wait3A_15 = tpu.memref_slice %arg6[%add3A_11, %dma_wait3A] : memref<20480x128xf32, #tpu.memory_space<hbm>> -> memref<640x128xf32, #tpu.memory_space<hbm>>
      %dma_wait3A_16 = arith.constant 0 : i32
      %dma_wait3A_17 = tpu.memref_slice %arg10[%mul3A_2, %dma_wait3A_16] : memref<10240x128xf32, #tpu.memory_space<vmem_shared>> -> memref<640x128xf32, #tpu.memory_space<vmem_shared>>
      tpu.wait_dma2 semaphore(%run_scoped3A : memref<!tpu.dma_semaphore, #tpu.memory_space<semaphore_mem>>) src(%dma_wait3A_17 : memref<640x128xf32, #tpu.memory_space<vmem_shared>>) dst(%dma_wait3A_15 : memref<640x128xf32, #tpu.memory_space<hbm>>)
      tpu.yield
    }) : () -> ()
    return
  }
}

module attributes {stable_mosaic.version = 14 : i64} {
  func.func @_tc_k1_body(%arg0: i32, %arg1: memref<1000x128xf32, #tpu.memory_space<vmem>>, %arg2: memref<2x1000x1xf32, #tpu.memory_space<vmem>>, %arg3: memref<1000x128xf32, #tpu.memory_space<vmem>>, %arg4: memref<1000x1xf32, #tpu.memory_space<vmem>>) attributes {dimension_semantics = [#tpu.dimension_semantics<arbitrary>], iteration_bounds = array<i64: 10>, scalar_prefetch = 0 : i64, scratch_operands = 0 : i64, tpu.core_type = #tpu.core_type<tc>, window_params = [{transform_indices = @transform_0, window_bounds = array<i64: 1000, 128>}, {transform_indices = @transform_1, window_bounds = array<i64: 2, 1000, 1>}, {transform_indices = @transform_2, window_bounds = array<i64: 1000, 128>}, {transform_indices = @transform_3, window_bounds = array<i64: 1000, 1>}]} {
    %get3A = arith.constant 0 : index
    %get3A_0 = arith.constant 0 : index
    %get3A_1 = arith.constant 0 : index
    %get3A_2 = vector.load %arg2[%get3A, %get3A_0, %get3A_1] : memref<2x1000x1xf32, #tpu.memory_space<vmem>>, vector<1x1000x1xf32>
    %get3A_3 = vector.shape_cast %get3A_2 : vector<1x1000x1xf32> to vector<1000x1xf32>
    %get3A_4 = arith.constant 1 : index
    %get3A_5 = arith.constant 0 : index
    %get3A_6 = arith.constant 0 : index
    %get3A_7 = vector.load %arg2[%get3A_4, %get3A_5, %get3A_6] : memref<2x1000x1xf32, #tpu.memory_space<vmem>>, vector<1x1000x1xf32>
    %get3A_8 = vector.shape_cast %get3A_7 : vector<1x1000x1xf32> to vector<1000x1xf32>
    %add3A = arith.addf %get3A_3, %get3A_8 : vector<1000x1xf32>
    %add3A_9 = arith.constant 1.000000e+00 : f32
    %add3A_10 = vector.broadcast %add3A_9 : f32 to vector<1000x1xf32>
    %add3A_11 = arith.addf %add3A, %add3A_10 : vector<1000x1xf32>
    %rsqrt3A = math.rsqrt %add3A_11 : vector<1000x1xf32>
    %get3A_12 = arith.constant 0 : index
    %get3A_13 = arith.constant 0 : index
    %get3A_14 = vector.load %arg1[%get3A_12, %get3A_13] : memref<1000x128xf32, #tpu.memory_space<vmem>>, vector<1000x128xf32>
    %mul3A = vector.broadcast %rsqrt3A : vector<1000x1xf32> to vector<1000x128xf32>
    %mul3A_15 = arith.mulf %get3A_14, %mul3A : vector<1000x128xf32>
    %swap3A = arith.constant 0 : index
    %swap3A_16 = arith.constant 0 : index
    %swap3A_17 = vector.load %arg3[%swap3A, %swap3A_16] : memref<1000x128xf32, #tpu.memory_space<vmem>>, vector<1000x128xf32>
    tpu.vector_store %arg3[%swap3A, %swap3A_16], %mul3A_15 {strides = array<i32>} : memref<1000x128xf32, #tpu.memory_space<vmem>>, vector<1000x128xf32>,
    %swap3A_18 = arith.constant 0 : index
    %swap3A_19 = arith.constant 0 : index
    %swap3A_20 = vector.load %arg4[%swap3A_18, %swap3A_19] : memref<1000x1xf32, #tpu.memory_space<vmem>>, vector<1000x1xf32>
    tpu.vector_store %arg4[%swap3A_18, %swap3A_19], %rsqrt3A {strides = array<i32>} : memref<1000x1xf32, #tpu.memory_space<vmem>>, vector<1000x1xf32>,
    return
  }
  func.func @transform_0(%arg0: i32) -> (i32, i32) {
    %c0_i32 = arith.constant 0 : i32
    %c0_i32_0 = arith.constant 0 : i32
    return %arg0, %c0_i32 : i32, i32
  }
  func.func @transform_1(%arg0: i32) -> (i32, i32, i32) {
    %c0_i32 = arith.constant 0 : i32
    %c0_i32_0 = arith.constant 0 : i32
    %c0_i32_1 = arith.constant 0 : i32
    return %c0_i32, %arg0, %c0_i32_0 : i32, i32, i32
  }
  func.func @transform_2(%arg0: i32) -> (i32, i32) {
    %c0_i32 = arith.constant 0 : i32
    %c0_i32_0 = arith.constant 0 : i32
    return %arg0, %c0_i32 : i32, i32
  }
  func.func @transform_3(%arg0: i32) -> (i32, i32) {
    %c0_i32 = arith.constant 0 : i32
    %c0_i32_0 = arith.constant 0 : i32
    return %arg0, %c0_i32 : i32, i32
  }
}

module attributes {stable_mosaic.version = 14 : i64} {
  func.func @_tc_k0_body(%arg0: i32, %arg1: memref<1000x128xf32, #tpu.memory_space<vmem>>, %arg2: memref<128x128xf32, #tpu.memory_space<vmem>>, %arg3: memref<1000x128xf32, #tpu.memory_space<vmem>>) attributes {dimension_semantics = [#tpu.dimension_semantics<arbitrary>], iteration_bounds = array<i64: 10>, scalar_prefetch = 0 : i64, scratch_operands = 0 : i64, tpu.core_type = #tpu.core_type<tc>, window_params = [{transform_indices = @transform_0, window_bounds = array<i64: 1000, 128>}, {pipeline_mode = #tpu.pipeline_mode<synchronous>, transform_indices = @transform_1, window_bounds = array<i64: 128, 128>}, {transform_indices = @transform_2, window_bounds = array<i64: 1000, 128>}]} {
    %get3A = arith.constant 0 : index
    %get3A_0 = arith.constant 0 : index
    %get3A_1 = vector.load %arg1[%get3A, %get3A_0] : memref<1000x128xf32, #tpu.memory_space<vmem>>, vector<1000x128xf32>
    %get3A_2 = arith.constant 0 : index
    %get3A_3 = arith.constant 0 : index
    %get3A_4 = vector.load %arg2[%get3A_2, %get3A_3] : memref<128x128xf32, #tpu.memory_space<vmem>>, vector<128x128xf32>
    %dot_general3A = arith.constant dense<0.000000e+00> : vector<1000x128xf32>
    %dot_general3A_5 = tpu.matmul %get3A_1, %get3A_4, %dot_general3A {dimension_numbers = #tpu.dot_dimension_numbers<[1], [0], [0], [1], [0, 0, 1, 1], [], []>, transpose_lhs_hint = false} : vector<1000x128xf32>, vector<128x128xf32>, vector<1000x128xf32> -> vector<1000x128xf32>
    %swap3A = arith.constant 0 : index
    %swap3A_6 = arith.constant 0 : index
    %swap3A_7 = vector.load %arg3[%swap3A, %swap3A_6] : memref<1000x128xf32, #tpu.memory_space<vmem>>, vector<1000x128xf32>
    tpu.vector_store %arg3[%swap3A, %swap3A_6], %dot_general3A_5 {strides = array<i32>} : memref<1000x128xf32, #tpu.memory_space<vmem>>, vector<1000x128xf32>,
    return
  }
  func.func @transform_0(%arg0: i32) -> (i32, i32) {
    %c0_i32 = arith.constant 0 : i32
    %c0_i32_0 = arith.constant 0 : i32
    return %arg0, %c0_i32 : i32, i32
  }
  func.func @transform_1(%arg0: i32) -> (i32, i32) {
    %c0_i32 = arith.constant 0 : i32
    %c0_i32_0 = arith.constant 0 : i32
    %c0_i32_1 = arith.constant 0 : i32
    return %c0_i32, %c0_i32_0 : i32, i32
  }
  func.func @transform_2(%arg0: i32) -> (i32, i32) {
    %c0_i32 = arith.constant 0 : i32
    %c0_i32_0 = arith.constant 0 : i32
    return %arg0, %c0_i32 : i32, i32
  }
}

module attributes {stable_mosaic.version = 14 : i64} {
  func.func @_tc_k2_body(%arg0: i32, %arg1: memref<2x1000x128xf32, #tpu.memory_space<vmem>>, %arg2: memref<1000x128xf32, #tpu.memory_space<vmem>>, %arg3: memref<1000x1xf32, #tpu.memory_space<vmem>>, %arg4: memref<1x128xf32, #tpu.memory_space<vmem>>, %arg5: memref<128x128xf32, #tpu.memory_space<vmem>>, %arg6: memref<1000x128xf32, #tpu.memory_space<vmem>>) attributes {dimension_semantics = [#tpu.dimension_semantics<arbitrary>], iteration_bounds = array<i64: 10>, scalar_prefetch = 0 : i64, scratch_operands = 0 : i64, tpu.core_type = #tpu.core_type<tc>, window_params = [{transform_indices = @transform_0, window_bounds = array<i64: 2, 1000, 128>}, {transform_indices = @transform_1, window_bounds = array<i64: 1000, 128>}, {transform_indices = @transform_2, window_bounds = array<i64: 1000, 1>}, {pipeline_mode = #tpu.pipeline_mode<synchronous>, transform_indices = @transform_3, window_bounds = array<i64: 1, 128>}, {pipeline_mode = #tpu.pipeline_mode<synchronous>, transform_indices = @transform_4, window_bounds = array<i64: 128, 128>}, {transform_indices = @transform_5, window_bounds = array<i64: 1000, 128>}]} {
    %get3A = arith.constant 0 : index
    %get3A_0 = arith.constant 0 : index
    %get3A_1 = vector.load %arg3[%get3A, %get3A_0] : memref<1000x1xf32, #tpu.memory_space<vmem>>, vector<1000x1xf32>
    %get3A_2 = arith.constant 0 : index
    %get3A_3 = arith.constant 0 : index
    %get3A_4 = arith.constant 0 : index
    %get3A_5 = vector.load %arg1[%get3A_2, %get3A_3, %get3A_4] : memref<2x1000x128xf32, #tpu.memory_space<vmem>>, vector<1x1000x128xf32>
    %get3A_6 = vector.shape_cast %get3A_5 : vector<1x1000x128xf32> to vector<1000x128xf32>
    %get3A_7 = arith.constant 1 : index
    %get3A_8 = arith.constant 0 : index
    %get3A_9 = arith.constant 0 : index
    %get3A_10 = vector.load %arg1[%get3A_7, %get3A_8, %get3A_9] : memref<2x1000x128xf32, #tpu.memory_space<vmem>>, vector<1x1000x128xf32>
    %get3A_11 = vector.shape_cast %get3A_10 : vector<1x1000x128xf32> to vector<1000x128xf32>
    %add3A = arith.addf %get3A_6, %get3A_11 : vector<1000x128xf32>
    %get3A_12 = arith.constant 0 : index
    %get3A_13 = arith.constant 0 : index
    %get3A_14 = vector.load %arg2[%get3A_12, %get3A_13] : memref<1000x128xf32, #tpu.memory_space<vmem>>, vector<1000x128xf32>
    %add3A_15 = arith.addf %add3A, %get3A_14 : vector<1000x128xf32>
    %mul3A = vector.broadcast %get3A_1 : vector<1000x1xf32> to vector<1000x128xf32>
    %mul3A_16 = arith.mulf %mul3A, %add3A_15 : vector<1000x128xf32>
    %get3A_17 = arith.constant 0 : index
    %get3A_18 = arith.constant 0 : index
    %get3A_19 = vector.load %arg4[%get3A_17, %get3A_18] : memref<1x128xf32, #tpu.memory_space<vmem>>, vector<1x128xf32>
    %add3A_20 = vector.broadcast %get3A_19 : vector<1x128xf32> to vector<1000x128xf32>
    %add3A_21 = arith.addf %mul3A_16, %add3A_20 : vector<1000x128xf32>
    %get3A_22 = arith.constant 0 : index
    %get3A_23 = arith.constant 0 : index
    %get3A_24 = vector.load %arg5[%get3A_22, %get3A_23] : memref<128x128xf32, #tpu.memory_space<vmem>>, vector<128x128xf32>
    %dot_general3A = arith.constant dense<0.000000e+00> : vector<1000x128xf32>
    %dot_general3A_25 = tpu.matmul %add3A_21, %get3A_24, %dot_general3A {dimension_numbers = #tpu.dot_dimension_numbers<[1], [0], [0], [1], [0, 0, 1, 1], [], []>, transpose_lhs_hint = false} : vector<1000x128xf32>, vector<128x128xf32>, vector<1000x128xf32> -> vector<1000x128xf32>
    %mul3A_26 = vector.broadcast %get3A_1 : vector<1000x1xf32> to vector<1000x128xf32>
    %mul3A_27 = arith.mulf %dot_general3A_25, %mul3A_26 : vector<1000x128xf32>
    %swap3A = arith.constant 0 : index
    %swap3A_28 = arith.constant 0 : index
    %swap3A_29 = vector.load %arg6[%swap3A, %swap3A_28] : memref<1000x128xf32, #tpu.memory_space<vmem>>, vector<1000x128xf32>
    tpu.vector_store %arg6[%swap3A, %swap3A_28], %mul3A_27 {strides = array<i32>} : memref<1000x128xf32, #tpu.memory_space<vmem>>, vector<1000x128xf32>,
    return
  }
  func.func @transform_0(%arg0: i32) -> (i32, i32, i32) {
    %c0_i32 = arith.constant 0 : i32
    %c0_i32_0 = arith.constant 0 : i32
    %c0_i32_1 = arith.constant 0 : i32
    return %c0_i32, %arg0, %c0_i32_0 : i32, i32, i32
  }
  func.func @transform_1(%arg0: i32) -> (i32, i32) {
    %c0_i32 = arith.constant 0 : i32
    %c0_i32_0 = arith.constant 0 : i32
    return %arg0, %c0_i32 : i32, i32
  }
  func.func @transform_2(%arg0: i32) -> (i32, i32) {
    %c0_i32 = arith.constant 0 : i32
    %c0_i32_0 = arith.constant 0 : i32
    return %arg0, %c0_i32 : i32, i32
  }
  func.func @transform_3(%arg0: i32) -> (i32, i32) {
    %c0_i32 = arith.constant 0 : i32
    %c0_i32_0 = arith.constant 0 : i32
    %c0_i32_1 = arith.constant 0 : i32
    return %c0_i32, %c0_i32_0 : i32, i32
  }
  func.func @transform_4(%arg0: i32) -> (i32, i32) {
    %c0_i32 = arith.constant 0 : i32
    %c0_i32_0 = arith.constant 0 : i32
    %c0_i32_1 = arith.constant 0 : i32
    return %c0_i32, %c0_i32_0 : i32, i32
  }
  func.func @transform_5(%arg0: i32) -> (i32, i32) {
    %c0_i32 = arith.constant 0 : i32
    %c0_i32_0 = arith.constant 0 : i32
    return %arg0, %c0_i32 : i32, i32
  }
}

module attributes {stable_mosaic.version = 14 : i64} {
  func.func @_tc_k3_body(%arg0: i32, %arg1: memref<2x1000x128xf32, #tpu.memory_space<vmem>>, %arg2: memref<1000x128xf32, #tpu.memory_space<vmem>>, %arg3: memref<1000x1xf32, #tpu.memory_space<vmem>>, %arg4: memref<1x128xf32, #tpu.memory_space<vmem>>, %arg5: memref<1000x128xf32, #tpu.memory_space<vmem>>) attributes {dimension_semantics = [#tpu.dimension_semantics<arbitrary>], iteration_bounds = array<i64: 10>, scalar_prefetch = 0 : i64, scratch_operands = 0 : i64, tpu.core_type = #tpu.core_type<tc>, window_params = [{transform_indices = @transform_0, window_bounds = array<i64: 2, 1000, 128>}, {transform_indices = @transform_1, window_bounds = array<i64: 1000, 128>}, {transform_indices = @transform_2, window_bounds = array<i64: 1000, 1>}, {pipeline_mode = #tpu.pipeline_mode<synchronous>, transform_indices = @transform_3, window_bounds = array<i64: 1, 128>}, {transform_indices = @transform_4, window_bounds = array<i64: 1000, 128>}]} {
    %get3A = arith.constant 0 : index
    %get3A_0 = arith.constant 0 : index
    %get3A_1 = vector.load %arg3[%get3A, %get3A_0] : memref<1000x1xf32, #tpu.memory_space<vmem>>, vector<1000x1xf32>
    %get3A_2 = arith.constant 0 : index
    %get3A_3 = arith.constant 0 : index
    %get3A_4 = arith.constant 0 : index
    %get3A_5 = vector.load %arg1[%get3A_2, %get3A_3, %get3A_4] : memref<2x1000x128xf32, #tpu.memory_space<vmem>>, vector<1x1000x128xf32>
    %get3A_6 = vector.shape_cast %get3A_5 : vector<1x1000x128xf32> to vector<1000x128xf32>
    %get3A_7 = arith.constant 1 : index
    %get3A_8 = arith.constant 0 : index
    %get3A_9 = arith.constant 0 : index
    %get3A_10 = vector.load %arg1[%get3A_7, %get3A_8, %get3A_9] : memref<2x1000x128xf32, #tpu.memory_space<vmem>>, vector<1x1000x128xf32>
    %get3A_11 = vector.shape_cast %get3A_10 : vector<1x1000x128xf32> to vector<1000x128xf32>
    %add3A = arith.addf %get3A_6, %get3A_11 : vector<1000x128xf32>
    %get3A_12 = arith.constant 0 : index
    %get3A_13 = arith.constant 0 : index
    %get3A_14 = vector.load %arg2[%get3A_12, %get3A_13] : memref<1000x128xf32, #tpu.memory_space<vmem>>, vector<1000x128xf32>
    %add3A_15 = arith.addf %add3A, %get3A_14 : vector<1000x128xf32>
    %mul3A = vector.broadcast %get3A_1 : vector<1000x1xf32> to vector<1000x128xf32>
    %mul3A_16 = arith.mulf %mul3A, %add3A_15 : vector<1000x128xf32>
    %get3A_17 = arith.constant 0 : index
    %get3A_18 = arith.constant 0 : index
    %get3A_19 = vector.load %arg4[%get3A_17, %get3A_18] : memref<1x128xf32, #tpu.memory_space<vmem>>, vector<1x128xf32>
    %add3A_20 = vector.broadcast %get3A_19 : vector<1x128xf32> to vector<1000x128xf32>
    %add3A_21 = arith.addf %mul3A_16, %add3A_20 : vector<1000x128xf32>
    %swap3A = arith.constant 0 : index
    %swap3A_22 = arith.constant 0 : index
    %swap3A_23 = vector.load %arg5[%swap3A, %swap3A_22] : memref<1000x128xf32, #tpu.memory_space<vmem>>, vector<1000x128xf32>
    tpu.vector_store %arg5[%swap3A, %swap3A_22], %add3A_21 {strides = array<i32>} : memref<1000x128xf32, #tpu.memory_space<vmem>>, vector<1000x128xf32>,
    return
  }
  func.func @transform_0(%arg0: i32) -> (i32, i32, i32) {
    %c0_i32 = arith.constant 0 : i32
    %c0_i32_0 = arith.constant 0 : i32
    %c0_i32_1 = arith.constant 0 : i32
    return %c0_i32, %arg0, %c0_i32_0 : i32, i32, i32
  }
  func.func @transform_1(%arg0: i32) -> (i32, i32) {
    %c0_i32 = arith.constant 0 : i32
    %c0_i32_0 = arith.constant 0 : i32
    return %arg0, %c0_i32 : i32, i32
  }
  func.func @transform_2(%arg0: i32) -> (i32, i32) {
    %c0_i32 = arith.constant 0 : i32
    %c0_i32_0 = arith.constant 0 : i32
    return %arg0, %c0_i32 : i32, i32
  }
  func.func @transform_3(%arg0: i32) -> (i32, i32) {
    %c0_i32 = arith.constant 0 : i32
    %c0_i32_0 = arith.constant 0 : i32
    %c0_i32_1 = arith.constant 0 : i32
    return %c0_i32, %c0_i32_0 : i32, i32
  }
  func.func @transform_4(%arg0: i32) -> (i32, i32) {
    %c0_i32 = arith.constant 0 : i32
    %c0_i32_0 = arith.constant 0 : i32
    return %arg0, %c0_i32 : i32, i32
  }
}

</mosaic_0001>

<sc_bundles>
// kernel: kernel.12.cloned.1.call-start
scs
__scs_entry_jumppad:
0x0: {  	(pc) =	sbr.rel $0x88, $3  }
0x1: {  	(tag) =	ssettag $0x0;
	lr =	simm.s32 $0x1  }
0x2: {  	[smem:$0x3F9B] =	sst lr;
	_ =	strace $0xD0000000  }
0x3: {  	_ = 	snop  }
0x4: {  	_ = 	snop  }
0x5: {  	_ = 	snop  }
0x6: {  	_ = 	snop  }
0x7: {  	_ = 	snop  }
__scs_overlays_trampoline_lowered:
0x8: {  	[smem:$0x3FAA] =	sst s0  }
0x9: {  	[smem:$0x3FAB] =	sst s1  }
0xa: {  	[smem:$0x3FAC] =	sst s2  }
0xb: {  	[smem:$0x3FAD] =	sst s3  }
0xc: {  	[smem:$0x3FAE] =	sst s4  }
0xd: {  	[smem:$0x3FAF] =	sst s5  }
0xe: {  	[smem:$0x3FB0] =	sst s6  }
0xf: {  	[smem:$0x3FB1] =	sst s7  }
0x10: {  	[smem:$0x3FB2] =	sst s8  }
0x11: {  	[smem:$0x3FB3] =	sst s9;
	s0 =	simm.s32 @!p0 $0x0  }
0x12: {  	s1 =	sld [smem:$0x3F99];
	s0 =	simm.s32 @p0 $0x1  }
0x13: {  	[smem:$0x3FB4] =	sst s0;
	s0 =	simm.s32 @!p1 $0x0  }
0x14: {  	s2 =	sld [smem:$0x3F98];
	s0 =	simm.s32 @p1 $0x1  }
0x15: {  	[smem:$0x3FB5] =	sst s0;
	s0 =	simm.s32 @!p2 $0x0  }
0x16: {  	s3 =	sld [smem:$0x3FDB];
	s0 =	simm.s32 @p2 $0x1  }
0x17: {  	s4 =	simm.s32 $0x1BF5;
	[smem:$0x3FB7] =	sst s0  }
0x18: {  	s0 =	sld [smem:$0x3F9A];
	_ =	swait.ge [sflag:s4], $0x0  }
0x19: {  	s7 =	sld [smem:$0x3F9B]  }
0x1a: {  	s8 =	sadd.s32 $0xFFFFE003, lr  }
0x1b: {  	s9 =	sadd.s32 $0xFFFFFEF7, lr;
	s5 =	simm.s32 $0xFFFFFFFF;
	p2 =	slt.u32 s8, $0xFFFFF086  }
0x1c: {  	p1 =	slt.u32 s9, $0xF7A;
	s5 =	simm.s32 @!p2 $0x0  }
0x1d: {  	s5 =	simm.s32 @p1 $0x1;
	p0 =	seq.s32 s7, s2  }
0x1e: {  	s7 =	smul.u32 @!p0 $0xF7A, s2;
	p2 =	seq.s32 @!p0 s5, $0x0  }
0x1f: {  	s9 =	smul.u32 $0xF7A, s1;
	s8 =	simm.s32 @!p0 $0x1BF5;
	p2 =	por !p2, p0  }
0x20: {  	[sflag:s8] =	ssyncset.s32 @!p0 $0xFFFFF086;
	s6 =	sadd.s32 @!p0 s3, s7;
	s7 =	simm.s32 @!p0 $0x108  }
0x21: {  	s3 =	sadd.s32 s3, s9;
	s6 =	sadd.s32 @!p0 $0x88, s6;
	s7 =	simm.s32 @p2 $0x1082  }
0x22: {  	[simem:s7], [sflag:s8] =	dma.local @!p0 [hbm:s6], $0xF7A  }
0x23: {  	s9 =	sor.u32 $0xD0000000, s2;
	s6 =	simm.s32 $0x108;
	_ =	swait.ge @!p0 [sflag:s8], $0x0  }
0x24: {  	s3 =	sadd.s32 $0x88, s3;
	s6 =	simm.s32 @!p1 $0x1082;
	[sflag:s4] =	ssyncset.s32 $0xFFFFF086  }
0x25: {  	[simem:s6], [sflag:s4] =	dma.local [hbm:s3], $0xF7A  }
0x26: {  	[smem:$0x3F9B] =	sst s1;
	(tag) =	ssettag s2;
	_ =	strace s9  }
0x27: {  	s1 =	sld [smem:$0x3FAB]  }
0x28: {  	s2 =	sld [smem:$0x3FAC]  }
0x29: {  	s4 =	sld [smem:$0x3FAE]  }
0x2a: {  	p0 =	seq.s32 s5, $0x0;
	s5 =	sld [smem:$0x3FAF]  }
0x2b: {  	s6 =	sld [smem:$0x3FB0]  }
0x2c: {  	s7 =	sld [smem:$0x3FB1]  }
0x2d: {  	s3 =	simm.s32 $0x108;
	s8 =	sld [smem:$0x3FB2]  }
0x2e: {  	s3 =	simm.s32 @!p0 $0x1082;
	s9 =	sld [smem:$0x3FB3]  }
0x2f: {  	lr =	sadd.s32 s0, s3;
	s0 =	sld [smem:$0x3FAA]  }
0x30: {  	s3 =	sld [smem:$0x3FAD]  }
0x31: {  	[smem:$0x3FB6] =	sst s10  }
0x32: {  	s10 =	sld [smem:$0x3FB4];
	_ =	sdelay $0x3  }
0x33: {  	p0 =	seq.s32 s10, $0x1;
	s10 =	sld [smem:$0x3FB6];
	_ =	sdelay $0x3  }
0x34: {  	[smem:$0x3FB6] =	sst s10  }
0x35: {  	s10 =	sld [smem:$0x3FB5];
	_ =	sdelay $0x3  }
0x36: {  	p1 =	seq.s32 s10, $0x1;
	s10 =	sld [smem:$0x3FB6];
	_ =	sdelay $0x3  }
0x37: {  	[smem:$0x3FB6] =	sst s10  }
0x38: {  	s10 =	sld [smem:$0x3FB7]  }
0x39: {  	_ = 	snop;
	(pc) =	sbr.ind lr, $3  }
0x3a: {  	_ = 	snop  }
0x3b: {  	_ = 	snop  }
0x3c: {  	p2 =	seq.s32 s10, $0x1;
	s10 =	sld [smem:$0x3FB6]  }
0x3d: {  	_ =	shalt  }
0x3e: {  	_ =	shalt  }
0x3f: {  	_ =	shalt  }
0x40: {  	_ =	shalt  }
0x41: {  	_ =	shalt  }
0x42: {  	_ =	shalt  }
0x43: {  	_ =	shalt  }
0x44: {  	_ =	shalt  }
0x45: {  	_ =	shalt  }
0x46: {  	_ =	shalt  }
0x47: {  	_ =	shalt  }
0x48: {  	_ =	shalt  }
0x49: {  	_ =	shalt  }
0x4a: {  	_ =	shalt  }
0x4b: {  	_ =	shalt  }
0x4c: {  	_ =	shalt  }
0x4d: {  	_ =	shalt  }
0x4e: {  	_ =	shalt  }
0x4f: {  	_ =	shalt  }
0x50: {  	_ =	shalt  }
0x51: {  	_ =	shalt  }
0x52: {  	_ =	shalt  }
0x53: {  	_ =	shalt  }
0x54: {  	_ =	shalt  }
0x55: {  	_ =	shalt  }
0x56: {  	_ =	shalt  }
0x57: {  	_ =	shalt  }
0x58: {  	_ =	shalt  }
0x59: {  	_ =	shalt  }
0x5a: {  	_ =	shalt  }
0x5b: {  	_ =	shalt  }
0x5c: {  	_ =	shalt  }
0x5d: {  	_ =	shalt  }
0x5e: {  	_ =	shalt  }
0x5f: {  	_ =	shalt  }
0x60: {  	_ =	shalt  }
0x61: {  	_ =	shalt  }
0x62: {  	_ =	shalt  }
0x63: {  	_ =	shalt  }
0x64: {  	_ =	shalt  }
0x65: {  	_ =	shalt  }
0x66: {  	_ =	shalt  }
0x67: {  	_ =	shalt  }
0x68: {  	_ =	shalt  }
0x69: {  	_ =	shalt  }
0x6a: {  	_ =	shalt  }
0x6b: {  	_ =	shalt  }
0x6c: {  	_ =	shalt  }
0x6d: {  	_ =	shalt  }
0x6e: {  	_ =	shalt  }
0x6f: {  	_ =	shalt  }
0x70: {  	_ =	shalt  }
0x71: {  	_ =	shalt  }
0x72: {  	_ =	shalt  }
0x73: {  	_ =	shalt  }
0x74: {  	_ =	shalt  }
0x75: {  	_ =	shalt  }
0x76: {  	_ =	shalt  }
0x77: {  	_ =	shalt  }
0x78: {  	_ =	shalt  }
0x79: {  	_ =	shalt  }
0x7a: {  	_ =	shalt  }
0x7b: {  	_ =	shalt  }
0x7c: {  	_ =	shalt  }
0x7d: {  	_ =	shalt  }
0x7e: {  	_ =	shalt  }
0x7f: {  	_ =	shalt  }
0x80: {  	_ =	shalt  }
0x81: {  	_ =	shalt  }
0x82: {  	_ =	shalt  }
0x83: {  	_ =	shalt  }
0x84: {  	_ =	shalt  }
0x85: {  	_ =	shalt  }
0x86: {  	_ =	shalt  }
0x87: {  	_ =	shalt  }
.Lfunc_end0:
.L_simem_size_0:
called_computation.1_lowered:
.L_overlay_start_0:
0x88: {  	s2 =	sld [smem:$0x3FD9]  }
0x89: {  	s3 =	sld [smem:$0x3FFE];
	_ =	sdelay $0x1  }
0x8a: {  	s1 =	srdreg.scid  }
0x8b: {  	s0 =	sand.u32 $0x1, s1  }
0x8c: {  	s17 =	sshll.u32 s0, $0xA;
	s2 =	sadd.s32 s3, s2  }
0x8d: {  	s2 =	sadd.s32 s2, s17  }
0x8e: {  	[smem:$0x3FC2] =	sst s2  }
0x8f: {  	_ = 	snop  }
0x90: {  	s2 =	sld [smem:$0x3FD0];
	(tm) =	ssettm $0x1  }
0x91: {  	s18 =	sld [smem:$0x3FFB];
	_ =	sdelay $0x3  }
0x92: {  	_ =	strace s18  }
0x93: {  	s3 =	sld [smem:$0x3FFC];
	_ =	sdelay $0x3  }
0x94: {  	_ =	strace s3  }
0x95: {  	s3 =	sld [smem:$0x3FFD];
	_ =	sdelay $0x3  }
0x96: {  	_ =	strace s3  }
0x97: {  	_ =	strace $0x8FFFFFFF  }
0x98: {  	s19 =	sld [smem:$0x3FDB];
	_ =	sdelay $0x1  }
0x99: {  	s4 =	simm.s32 $_scs_section_size  }
0x9a: {  	s5 =	simm.s32 $_size__tile_overlayer_lowered;
	s6 =	simm.s32 $_tile_overlayer_lowered  }
0x9b: {  	s22 =	simm.s32 $0x1BFF;
	s21 =	sshll.u32 s6, $0x1;
	s3 =	sadd.s32 s4, s19  }
0x9c: {  	s7 =	simm.s32 $0x0;
	s20 =	sshll.u32 s5, $0x1;
	s5 =	sadd.s32 s21, s3  }
0x9d: {  	[timem:s7], [sflag:s22] =	dma.local [hbm:s5], s20  }
0x9e: {  	_ =	swait.ge [sflag:s22], s20  }
0x9f: {  	s4 =	ssub.s32 $0x0, s20;
	[sflag:s22] =	ssyncset.done $0x0  }
0xa0: {  	[sflag:s22] =	ssyncadd.s32 s4;
	_ =	sdelay $0x1  }
0xa1: {  	s23 =	simm.s32 $0x1B8B  }
0xa2: {  	_ =	swait.ge [sflag:s23], $0x1  }
0xa3: {  	[sflag:s23] =	ssyncset.done $0x0  }
0xa4: {  	s25 =	simm.s32 $0x1B8E;
	s24 =	sld [smem:$0x3FFE];
	[sflag:s23] =	ssyncadd.s32 $0xFFFFFFFF  }
0xa5: {  	s26 =	simm.s32 $execute0_lowered;
	[smem:$0x3FD2] =	sst s25  }
0xa6: {  	s5 =	sshll.u32 s26, $0x1;
	_ =	strace $0x80000049;
	[dreg:$0x1] =	wrdreg $0xFFFFFFFF  }
0xa7: {  	s28 =	simm.s32 $_size_execute0_lowered;
	s3 =	sadd.s32 s3, s5;
	[dreg:$0x0] =	wrdreg $0x0  }
0xa8: {  	s5 =	sshll.u32 s28, $0x1;
	[dreg:$0x2] =	wrdreg s3  }
0xa9: {  	[dreg:$0x3] =	wrdreg s5  }
0xaa: {  	[dreg:$0x4] =	wrdreg $0xC0  }
0xab: {  	_ =	task [dreg:s7], $0x5FFFF  }
0xac: {  	[dreg:$0x1] =	wrdreg $0xFFFFFFFF  }
0xad: {  	[dreg:$0x0] =	wrdreg $0x60  }
0xae: {  	[dreg:$0x2] =	wrdreg s2  }
0xaf: {  	[dreg:$0x3] =	wrdreg s24  }
0xb0: {  	[dreg:$0x4] =	wrdreg $0x29000  }
0xb1: {  	[dreg:$0x5] =	wrdreg $0x9  }
0xb2: {  	_ =	task.clear_ibuf [dreg:s7], $0x6FFFF;
	_ =	strace $0x90000049  }
0xb3: {  	s29 =	simm.s32 $0x9;
	_ =	strace $0x8000004B  }
0xb4: {  	_ =	swait.ge [sflag:s29], $0x1  }
0xb5: {  	[sflag:s29] =	ssyncadd.s32 $0xFFFFFFFF  }
0xb6: {  	_ =	strace $0x9000004B  }
0xb7: {  	_ =	sfence  }
0xb8: {  	s30 =	sld [smem:$0x0];
	_ =	sdelay $0x2  }
0xb9: {  	s31 =	sshll.u32 s1, $0xD;
	s1 =	sshrl.u32 s1, $0x2  }
0xba: {  	s3 =	sand.u32 $0x4000, s31;
	s1 =	sadd.s32 s1, s30  }
0xbb: {  	s0 =	sor.u32 s3, s0;
	s1 =	sshll.u32 s1, $0x11  }
0xbc: {  	s0 =	sor.u32 s1, s0  }
0xbd: {  	s0 =	sadd.s32 $0x8F2B, s0  }
0xbe: {  	[sflag:s0] =	ssyncadd.remote.s32 $0x1  }
0xbf: {  	_ =	sfence.sel $0xFFFF  }
0xc0: {  	[dreg:$0x0] =	wrdreg $0xFFFFFFFF;
	(pc) =	sbr.abs _section_cstart, $3  }
0xc1: {  	[dreg:$0x1] =	wrdreg $0xFFFFFFFF  }
0xc2: {  	_ =	task.clear_ibuf [dreg:s7], $0x2FFFF;
	_ =	strace $0x9FFFFFFF  }
0xc3: {  	(tm) =	ssettm $0x7FFFFFFF  }
tec
execute0_lowered:
.L_overlay_start_1:
0x0: {  	(tag) =	ssettag $0x1  }
0x1: {  	s2 =	rddreg [dreg:$0x0]  }
0x2: {  	s6 =	rddreg [dreg:$0x1]  }
0x3: {  	s3 =	rddreg [dreg:$0x2]  }
0x4: {  	s0 =	rddreg [dreg:$0x3];
	s1 =	stileid.u32  }
0x5: {  	s5 =	srdreg.scid;
	s4 =	simm.s32 $0x0;
	s13 =	simm.s32 $0x80  }
0x6: {  	s14 =	simm.s32 $0x50;
	s15 =	simm.s32 $0x100;
	s16 =	simm.s32 $0x1  }
0x7: {  	s17 =	simm.s32 $0x0;
	s7 =	sand.u32 $0x1, s5;
	s24 =	smul.u32 $0x2800, s1  }
0x8: {  	[smem:$0x7FF] =	sst s4;
	s8 =	sshll.u32 s1, $0xC;
	s11 =	smul.u32 $0x50000, s1  }
0x9: {  	s5 =	sadd.s32 $0x12600, s6;
	s30 =	sshll.u32 s1, $0x6;
	s9 =	smul.u32 $0x28000, s7  }
0xa: {  	_ =	strace $0x8000004A;
	s10 =	sadd.s32 s8, s6;
	s26 =	ssub.s32 $0x2, s7  }
0xb: {  	s31 =	sshll.u32 s7, $0xB;
	s28 =	sshrl.u32 s26, $0x1;
	s29 =	sshrl.u32 s11, $0x2  }
0xc: {  	s10 =	sadd.s32 s31, s10;
	s25 =	sadd.s32 s24, s9;
	s9 =	ssub.s32 s26, s28  }
0xd: {  	s12 =	sadd.s32 s29, s3;
	s8 =	sadd.s32 s25, s6;
	s6 =	sor.u32 $0x1C02, s30  }
0xe: {  	s11 =	sshrl.u32 s12, $0x3;
	s12 =	simm.s32 $0x2;
	s7 =	sadd.s32 $0x14E00, s8  }
0xf: {  	s8 =	smax.u32 s9, $0x1;
	s9 =	sadd.s32 $0x64E00, s10;
	s10 =	sadd.s32 $0x2600, s10  }
.LBB2_1:
0x10: {  	[spmem:s11], [sflag:s6] =	dma.local [hbm:s5], $0x2800  }
0x11: {  	_ =	swait.ge [sflag:s12], $0x2800  }
0x12: {  	[sflag:s12] =	ssyncset.done $0x0  }
0x13: {  	[sflag:s12] =	ssyncadd.s32 $0xFFFFD800  }
0x14: {  	s18 =	sadd.s32 $0x0, s9;
	[bflag:$0x0] =	sbarrier.arrive $0xFFFF  }
0x15: {  	[tilespmem:s4], [sflag:$0x2] =	stream.linear.gather [hbm4b:s18+s4], $0x80, $0x38;
	[tilespmem:$0x16900] =	vst v63  }
0x16: {  	_ =	swait.ge [sflag:s12], $0x80  }
0x17: {  	[sflag:s12] =	ssyncset.done $0x0  }
0x18: {  	s31 =	sadd.s32 $0x0, s10;
	[sflag:s12] =	ssyncadd.s32 $0xFFFFFF80  }
0x19: {  	[tilespmem:s13], [sflag:$0x2] =	stream.linear.gather [hbm4b:s31+s4], $0x80, $0x38;
	[tilespmem:$0x16900] =	vst v63  }
0x1a: {  	_ =	swait.ge [sflag:s12], $0x80  }
0x1b: {  	[sflag:s12] =	ssyncset.done $0x0  }
0x1c: {  	[sflag:s12] =	ssyncadd.s32 $0xFFFFFF80  }
0x1d: {  	[tilespmem:s15], [sflag:$0x1] =	stream.indirect.gather [hbm4b:s2+s14], $0x80, s4, s14, $0xb8;
	[tilespmem:$0x16900] =	vst v63  }
0x1e: {  	_ =	swait.ge [sflag:s16], $0x2800  }
0x1f: {  	[sflag:s16] =	ssyncset.done $0x0  }
0x20: {  	[sflag:s16] =	ssyncadd.s32 $0xFFFFD800  }
0x21: {  	[spmem:s3] =	stream.indirect.scatter.add.f32 [tilespmem:s15], [sflag:$0x2], $0x80, s13, s14, $0xb8;
	[tilespmem:$0x16900] =	vst v63  }
0x22: {  	_ =	swait.ge [sflag:s12], $0x2800  }
0x23: {  	s19 =	simm.s32 $0x20;
	s18 =	simm.s32 $0x10;
	[sflag:s12] =	ssyncset.done $0x0  }
.LBB2_2:
0x24: {  	s20 =	sadd.s32 s18, s9  }
0x25: {  	[sflag:s12] =	ssyncadd.s32 $0xFFFFD800;
	s21 =	smov.u32 s19;
	s22 =	sadd.s32 $0x10, s19  }
0x26: {  	[tilespmem:s4], [sflag:$0x2] =	stream.linear.gather [hbm4b:s20+s4], $0x80, $0x38;
	[tilespmem:$0x16900] =	vst v63  }
0x27: {  	p0 =	sne.s32 s19, $0x7C0;
	_ =	swait.ge [sflag:s12], $0x80  }
0x28: {  	[sflag:s12] =	ssyncset.done $0x0  }
0x29: {  	s19 =	sadd.s32 s18, s10;
	s18 =	smov.u32 s21;
	[sflag:s12] =	ssyncadd.s32 $0xFFFFFF80  }
0x2a: {  	[tilespmem:s13], [sflag:$0x2] =	stream.linear.gather [hbm4b:s19+s4], $0x80, $0x38;
	[tilespmem:$0x16900] =	vst v63  }
0x2b: {  	_ =	swait.ge [sflag:s12], $0x80  }
0x2c: {  	[sflag:s12] =	ssyncset.done $0x0  }
0x2d: {  	[sflag:s12] =	ssyncadd.s32 $0xFFFFFF80  }
0x2e: {  	[tilespmem:s15], [sflag:$0x1] =	stream.indirect.gather [hbm4b:s2+s14], $0x80, s4, s14, $0xb8;
	[tilespmem:$0x16900] =	vst v63  }
0x2f: {  	_ =	swait.ge [sflag:s16], $0x2800  }
.Ltmp0:
0x30: {  	[sflag:s16] =	ssyncset.done $0x0;
	(pc) =	sbr.rel @p0 .LBB2_2-.Ltmp0, $4  }
0x31: {  	[sflag:s16] =	ssyncadd.s32 $0xFFFFD800  }
0x32: {  	[spmem:s3] =	stream.indirect.scatter.add.f32 [tilespmem:s15], [sflag:$0x2], $0x80, s13, s14, $0xb8;
	[tilespmem:$0x16900] =	vst v63  }
0x33: {  	_ =	swait.ge [sflag:s12], $0x2800  }
0x34: {  	s19 =	smov.u32 s22;
	[sflag:s12] =	ssyncset.done $0x0  }
0x35: {  	s19 =	sadd.s32 s18, s9;
	[sflag:s12] =	ssyncadd.s32 $0xFFFFD800  }
0x36: {  	[tilespmem:s4], [sflag:$0x2] =	stream.linear.gather [hbm4b:s19+s4], $0x80, $0x38;
	[tilespmem:$0x16900] =	vst v63  }
0x37: {  	_ =	swait.ge [sflag:s12], $0x80  }
0x38: {  	[sflag:s12] =	ssyncset.done $0x0  }
0x39: {  	s31 =	sadd.s32 s18, s10;
	[sflag:s12] =	ssyncadd.s32 $0xFFFFFF80  }
0x3a: {  	[tilespmem:s13], [sflag:$0x2] =	stream.linear.gather [hbm4b:s31+s4], $0x80, $0x38;
	[tilespmem:$0x16900] =	vst v63  }
0x3b: {  	_ =	swait.ge [sflag:s12], $0x80  }
0x3c: {  	[sflag:s12] =	ssyncset.done $0x0  }
0x3d: {  	[sflag:s12] =	ssyncadd.s32 $0xFFFFFF80  }
0x3e: {  	[tilespmem:s15], [sflag:$0x1] =	stream.indirect.gather [hbm4b:s2+s14], $0x80, s4, s14, $0xb8;
	[tilespmem:$0x16900] =	vst v63  }
0x3f: {  	_ =	swait.ge [sflag:s16], $0x2800  }
0x40: {  	[sflag:s16] =	ssyncset.done $0x0  }
0x41: {  	[sflag:s16] =	ssyncadd.s32 $0xFFFFD800  }
0x42: {  	[spmem:s3] =	stream.indirect.scatter.add.f32 [tilespmem:s15], [sflag:$0x2], $0x80, s13, s14, $0xb8;
	[tilespmem:$0x16900] =	vst v63  }
0x43: {  	_ =	swait.ge [sflag:s12], $0x2800  }
0x44: {  	s17 =	sadd.s32 $0x1, s17;
	[sflag:s12] =	ssyncset.done $0x0  }
0x45: {  	p0 =	sne.s32 s17, s8;
	[sflag:s12] =	ssyncadd.s32 $0xFFFFD800  }
.Ltmp1:
0x46: {  	[bflag:$0x0] =	sbarrier.arrive $0xFFFF;
	(pc) =	sbr.rel @p0 .LBB2_1-.Ltmp1, $4  }
0x47: {  	[hbm:s7], [sflag:s6] =	dma.local [spmem:s11], $0x2800  }
0x48: {  	_ =	swait.ge [sflag:s12], $0x2800  }
0x49: {  	[sflag:s12] =	ssyncset.done $0x0  }
0x4a: {  	[sflag:s12] =	ssyncadd.s32 $0xFFFFD800  }
0x4b: {  	_ =	sfence.sel $0x180000  }
0x4c: {  	[bflag:$0x0] =	sbarrier.arrive $0xFFFF  }
0x4d: {  	p0 =	sne.s32 s1, $0x0;
	_ =	strace $0x9000004A  }
0x4e: {  	s0 =	sadd.s32 @!p0 $0x100000, s0;
	[bflag:$0x2] =	sbarrier.arrive $0xFFFF  }
0x4f: {  	[sflag:s0] =	ssyncadd.tile.s32 @!p0 $0x1;
	_ =	shalt  }
.Lfunc_end2:
_tile_overlayer_lowered:
.L_overlay_start_2:
0x50: {  	(tag) =	ssettag $0x2  }
0x51: {  	s0 =	rddreg [dreg:$0x0];
	s2 =	stileid.u32  }
0x52: {  	s1 =	rddreg [dreg:$0x1];
	p0 =	sne.s32 s2, $0x0  }
0x53: {  	s3 =	rddreg [dreg:$0x2];
	[bflag:$0x3] =	sbarrier.arrive $0xFFFF;
	s2 =	simm.s32 @!p0 $0x1C02  }
0x54: {  	[timem:s3], [sflag:s2] =	dma.local @!p0 [hbm:s0], s1  }
0x55: {  	s0 =	simm.s32 @!p0 $0x2  }
0x56: {  	_ =	swait.ge @!p0 [sflag:s0], s1  }
0x57: {  	s1 =	ssub.s32 @!p0 $0x0, s1;
	[sflag:s0] =	ssyncset.done @!p0 $0x0  }
0x58: {  	[sflag:s0] =	ssyncadd.s32 @!p0 s1  }
0x59: {  	[bflag:$0x3] =	sbarrier.arrive $0xFFFF  }
0x5a: {  	_ =	shalt  }

// kernel: kernel.15.cloned.1.call-start
scs
__scs_entry_jumppad:
0x0: {  	(pc) =	sbr.rel $0x88, $3  }
0x1: {  	(tag) =	ssettag $0x0;
	lr =	simm.s32 $0x1  }
0x2: {  	[smem:$0x3F9B] =	sst lr;
	_ =	strace $0xD0000000  }
0x3: {  	_ = 	snop  }
0x4: {  	_ = 	snop  }
0x5: {  	_ = 	snop  }
0x6: {  	_ = 	snop  }
0x7: {  	_ = 	snop  }
__scs_overlays_trampoline_lowered:
0x8: {  	[smem:$0x3FAA] =	sst s0  }
0x9: {  	[smem:$0x3FAB] =	sst s1  }
0xa: {  	[smem:$0x3FAC] =	sst s2  }
0xb: {  	[smem:$0x3FAD] =	sst s3  }
0xc: {  	[smem:$0x3FAE] =	sst s4  }
0xd: {  	[smem:$0x3FAF] =	sst s5  }
0xe: {  	[smem:$0x3FB0] =	sst s6  }
0xf: {  	[smem:$0x3FB1] =	sst s7  }
0x10: {  	[smem:$0x3FB2] =	sst s8  }
0x11: {  	[smem:$0x3FB3] =	sst s9;
	s0 =	simm.s32 @!p0 $0x0  }
0x12: {  	s1 =	sld [smem:$0x3F99];
	s0 =	simm.s32 @p0 $0x1  }
0x13: {  	[smem:$0x3FB4] =	sst s0;
	s0 =	simm.s32 @!p1 $0x0  }
0x14: {  	s2 =	sld [smem:$0x3F98];
	s0 =	simm.s32 @p1 $0x1  }
0x15: {  	[smem:$0x3FB5] =	sst s0;
	s0 =	simm.s32 @!p2 $0x0  }
0x16: {  	s3 =	sld [smem:$0x3FDB];
	s0 =	simm.s32 @p2 $0x1  }
0x17: {  	s4 =	simm.s32 $0x1BF5;
	[smem:$0x3FB7] =	sst s0  }
0x18: {  	s0 =	sld [smem:$0x3F9A];
	_ =	swait.ge [sflag:s4], $0x0  }
0x19: {  	s7 =	sld [smem:$0x3F9B]  }
0x1a: {  	s8 =	sadd.s32 $0xFFFFE003, lr  }
0x1b: {  	s9 =	sadd.s32 $0xFFFFFEF7, lr;
	s5 =	simm.s32 $0xFFFFFFFF;
	p2 =	slt.u32 s8, $0xFFFFF086  }
0x1c: {  	p1 =	slt.u32 s9, $0xF7A;
	s5 =	simm.s32 @!p2 $0x0  }
0x1d: {  	s5 =	simm.s32 @p1 $0x1;
	p0 =	seq.s32 s7, s2  }
0x1e: {  	s7 =	smul.u32 @!p0 $0xF7A, s2;
	p2 =	seq.s32 @!p0 s5, $0x0  }
0x1f: {  	s9 =	smul.u32 $0xF7A, s1;
	s8 =	simm.s32 @!p0 $0x1BF5;
	p2 =	por !p2, p0  }
0x20: {  	[sflag:s8] =	ssyncset.s32 @!p0 $0xFFFFF086;
	s6 =	sadd.s32 @!p0 s3, s7;
	s7 =	simm.s32 @!p0 $0x108  }
0x21: {  	s3 =	sadd.s32 s3, s9;
	s6 =	sadd.s32 @!p0 $0x88, s6;
	s7 =	simm.s32 @p2 $0x1082  }
0x22: {  	[simem:s7], [sflag:s8] =	dma.local @!p0 [hbm:s6], $0xF7A  }
0x23: {  	s9 =	sor.u32 $0xD0000000, s2;
	s6 =	simm.s32 $0x108;
	_ =	swait.ge @!p0 [sflag:s8], $0x0  }
0x24: {  	s3 =	sadd.s32 $0x88, s3;
	s6 =	simm.s32 @!p1 $0x1082;
	[sflag:s4] =	ssyncset.s32 $0xFFFFF086  }
0x25: {  	[simem:s6], [sflag:s4] =	dma.local [hbm:s3], $0xF7A  }
0x26: {  	[smem:$0x3F9B] =	sst s1;
	(tag) =	ssettag s2;
	_ =	strace s9  }
0x27: {  	s1 =	sld [smem:$0x3FAB]  }
0x28: {  	s2 =	sld [smem:$0x3FAC]  }
0x29: {  	s4 =	sld [smem:$0x3FAE]  }
0x2a: {  	p0 =	seq.s32 s5, $0x0;
	s5 =	sld [smem:$0x3FAF]  }
0x2b: {  	s6 =	sld [smem:$0x3FB0]  }
0x2c: {  	s7 =	sld [smem:$0x3FB1]  }
0x2d: {  	s3 =	simm.s32 $0x108;
	s8 =	sld [smem:$0x3FB2]  }
0x2e: {  	s3 =	simm.s32 @!p0 $0x1082;
	s9 =	sld [smem:$0x3FB3]  }
0x2f: {  	lr =	sadd.s32 s0, s3;
	s0 =	sld [smem:$0x3FAA]  }
0x30: {  	s3 =	sld [smem:$0x3FAD]  }
0x31: {  	[smem:$0x3FB6] =	sst s10  }
0x32: {  	s10 =	sld [smem:$0x3FB4];
	_ =	sdelay $0x3  }
0x33: {  	p0 =	seq.s32 s10, $0x1;
	s10 =	sld [smem:$0x3FB6];
	_ =	sdelay $0x3  }
0x34: {  	[smem:$0x3FB6] =	sst s10  }
0x35: {  	s10 =	sld [smem:$0x3FB5];
	_ =	sdelay $0x3  }
0x36: {  	p1 =	seq.s32 s10, $0x1;
	s10 =	sld [smem:$0x3FB6];
	_ =	sdelay $0x3  }
0x37: {  	[smem:$0x3FB6] =	sst s10  }
0x38: {  	s10 =	sld [smem:$0x3FB7]  }
0x39: {  	_ = 	snop;
	(pc) =	sbr.ind lr, $3  }
0x3a: {  	_ = 	snop  }
0x3b: {  	_ = 	snop  }
0x3c: {  	p2 =	seq.s32 s10, $0x1;
	s10 =	sld [smem:$0x3FB6]  }
0x3d: {  	_ =	shalt  }
0x3e: {  	_ =	shalt  }
0x3f: {  	_ =	shalt  }
0x40: {  	_ =	shalt  }
0x41: {  	_ =	shalt  }
0x42: {  	_ =	shalt  }
0x43: {  	_ =	shalt  }
0x44: {  	_ =	shalt  }
0x45: {  	_ =	shalt  }
0x46: {  	_ =	shalt  }
0x47: {  	_ =	shalt  }
0x48: {  	_ =	shalt  }
0x49: {  	_ =	shalt  }
0x4a: {  	_ =	shalt  }
0x4b: {  	_ =	shalt  }
0x4c: {  	_ =	shalt  }
0x4d: {  	_ =	shalt  }
0x4e: {  	_ =	shalt  }
0x4f: {  	_ =	shalt  }
0x50: {  	_ =	shalt  }
0x51: {  	_ =	shalt  }
0x52: {  	_ =	shalt  }
0x53: {  	_ =	shalt  }
0x54: {  	_ =	shalt  }
0x55: {  	_ =	shalt  }
0x56: {  	_ =	shalt  }
0x57: {  	_ =	shalt  }
0x58: {  	_ =	shalt  }
0x59: {  	_ =	shalt  }
0x5a: {  	_ =	shalt  }
0x5b: {  	_ =	shalt  }
0x5c: {  	_ =	shalt  }
0x5d: {  	_ =	shalt  }
0x5e: {  	_ =	shalt  }
0x5f: {  	_ =	shalt  }
0x60: {  	_ =	shalt  }
0x61: {  	_ =	shalt  }
0x62: {  	_ =	shalt  }
0x63: {  	_ =	shalt  }
0x64: {  	_ =	shalt  }
0x65: {  	_ =	shalt  }
0x66: {  	_ =	shalt  }
0x67: {  	_ =	shalt  }
0x68: {  	_ =	shalt  }
0x69: {  	_ =	shalt  }
0x6a: {  	_ =	shalt  }
0x6b: {  	_ =	shalt  }
0x6c: {  	_ =	shalt  }
0x6d: {  	_ =	shalt  }
0x6e: {  	_ =	shalt  }
0x6f: {  	_ =	shalt  }
0x70: {  	_ =	shalt  }
0x71: {  	_ =	shalt  }
0x72: {  	_ =	shalt  }
0x73: {  	_ =	shalt  }
0x74: {  	_ =	shalt  }
0x75: {  	_ =	shalt  }
0x76: {  	_ =	shalt  }
0x77: {  	_ =	shalt  }
0x78: {  	_ =	shalt  }
0x79: {  	_ =	shalt  }
0x7a: {  	_ =	shalt  }
0x7b: {  	_ =	shalt  }
0x7c: {  	_ =	shalt  }
0x7d: {  	_ =	shalt  }
0x7e: {  	_ =	shalt  }
0x7f: {  	_ =	shalt  }
0x80: {  	_ =	shalt  }
0x81: {  	_ =	shalt  }
0x82: {  	_ =	shalt  }
0x83: {  	_ =	shalt  }
0x84: {  	_ =	shalt  }
0x85: {  	_ =	shalt  }
0x86: {  	_ =	shalt  }
0x87: {  	_ =	shalt  }
.Lfunc_end0:
.L_simem_size_0:
called_computation.2_lowered:
.L_overlay_start_0:
0x88: {  	s2 =	sld [smem:$0x3FD9]  }
0x89: {  	s3 =	sld [smem:$0x3FFE];
	_ =	sdelay $0x1  }
0x8a: {  	s1 =	srdreg.scid  }
0x8b: {  	s0 =	sand.u32 $0x1, s1  }
0x8c: {  	s17 =	sshll.u32 s0, $0xA;
	s2 =	sadd.s32 s3, s2  }
0x8d: {  	s2 =	sadd.s32 s2, s17  }
0x8e: {  	[smem:$0x3FC2] =	sst s2  }
0x8f: {  	_ = 	snop  }
0x90: {  	s2 =	sld [smem:$0x3FD0];
	(tm) =	ssettm $0x1  }
0x91: {  	s18 =	sld [smem:$0x3FFB];
	_ =	sdelay $0x3  }
0x92: {  	_ =	strace s18  }
0x93: {  	s3 =	sld [smem:$0x3FFC];
	_ =	sdelay $0x3  }
0x94: {  	_ =	strace s3  }
0x95: {  	s3 =	sld [smem:$0x3FFD];
	_ =	sdelay $0x3  }
0x96: {  	_ =	strace s3  }
0x97: {  	_ =	strace $0x8FFFFFFF  }
0x98: {  	s19 =	sld [smem:$0x3FDB];
	_ =	sdelay $0x1  }
0x99: {  	s4 =	simm.s32 $_scs_section_size  }
0x9a: {  	s5 =	simm.s32 $_size__tile_overlayer_lowered;
	s6 =	simm.s32 $_tile_overlayer_lowered  }
0x9b: {  	s22 =	simm.s32 $0x1BFF;
	s21 =	sshll.u32 s6, $0x1;
	s3 =	sadd.s32 s4, s19  }
0x9c: {  	s7 =	simm.s32 $0x0;
	s20 =	sshll.u32 s5, $0x1;
	s5 =	sadd.s32 s21, s3  }
0x9d: {  	[timem:s7], [sflag:s22] =	dma.local [hbm:s5], s20  }
0x9e: {  	_ =	swait.ge [sflag:s22], s20  }
0x9f: {  	s4 =	ssub.s32 $0x0, s20;
	[sflag:s22] =	ssyncset.done $0x0  }
0xa0: {  	[sflag:s22] =	ssyncadd.s32 s4;
	_ =	sdelay $0x1  }
0xa1: {  	s23 =	simm.s32 $0x1B8B  }
0xa2: {  	_ =	swait.ge [sflag:s23], $0x1  }
0xa3: {  	[sflag:s23] =	ssyncset.done $0x0  }
0xa4: {  	s25 =	simm.s32 $0x1B8E;
	s24 =	sld [smem:$0x3FFE];
	[sflag:s23] =	ssyncadd.s32 $0xFFFFFFFF  }
0xa5: {  	s26 =	simm.s32 $execute0_lowered;
	[smem:$0x3FD2] =	sst s25  }
0xa6: {  	s5 =	sshll.u32 s26, $0x1;
	_ =	strace $0x8000004C;
	[dreg:$0x1] =	wrdreg $0xFFFFFFFF  }
0xa7: {  	s28 =	simm.s32 $_size_execute0_lowered;
	s3 =	sadd.s32 s3, s5;
	[dreg:$0x0] =	wrdreg $0x0  }
0xa8: {  	s5 =	sshll.u32 s28, $0x1;
	[dreg:$0x2] =	wrdreg s3  }
0xa9: {  	[dreg:$0x3] =	wrdreg s5  }
0xaa: {  	[dreg:$0x4] =	wrdreg $0xC0  }
0xab: {  	_ =	task [dreg:s7], $0x5FFFF  }
0xac: {  	[dreg:$0x1] =	wrdreg $0xFFFFFFFF  }
0xad: {  	[dreg:$0x0] =	wrdreg $0x60  }
0xae: {  	[dreg:$0x2] =	wrdreg s2  }
0xaf: {  	[dreg:$0x3] =	wrdreg s24  }
0xb0: {  	[dreg:$0x4] =	wrdreg $0x29000  }
0xb1: {  	[dreg:$0x5] =	wrdreg $0x9  }
0xb2: {  	_ =	task.clear_ibuf [dreg:s7], $0x6FFFF;
	_ =	strace $0x9000004C  }
0xb3: {  	s29 =	simm.s32 $0x9;
	_ =	strace $0x8000004E  }
0xb4: {  	_ =	swait.ge [sflag:s29], $0x1  }
0xb5: {  	[sflag:s29] =	ssyncadd.s32 $0xFFFFFFFF  }
0xb6: {  	_ =	strace $0x9000004E  }
0xb7: {  	_ =	sfence  }
0xb8: {  	s30 =	sld [smem:$0x0];
	_ =	sdelay $0x2  }
0xb9: {  	s31 =	sshll.u32 s1, $0xD;
	s1 =	sshrl.u32 s1, $0x2  }
0xba: {  	s3 =	sand.u32 $0x4000, s31;
	s1 =	sadd.s32 s1, s30  }
0xbb: {  	s0 =	sor.u32 s3, s0;
	s1 =	sshll.u32 s1, $0x11  }
0xbc: {  	s0 =	sor.u32 s1, s0  }
0xbd: {  	s0 =	sadd.s32 $0x8F2B, s0  }
0xbe: {  	[sflag:s0] =	ssyncadd.remote.s32 $0x1  }
0xbf: {  	_ =	sfence.sel $0xFFFF  }
0xc0: {  	[dreg:$0x0] =	wrdreg $0xFFFFFFFF;
	(pc) =	sbr.abs _section_cstart, $3  }
0xc1: {  	[dreg:$0x1] =	wrdreg $0xFFFFFFFF  }
0xc2: {  	_ =	task.clear_ibuf [dreg:s7], $0x2FFFF;
	_ =	strace $0x9FFFFFFF  }
0xc3: {  	(tm) =	ssettm $0x7FFFFFFF  }
tec
execute0_lowered:
.L_overlay_start_1:
0x0: {  	(tag) =	ssettag $0x1  }
0x1: {  	s2 =	rddreg [dreg:$0x0]  }
0x2: {  	s6 =	rddreg [dreg:$0x1]  }
0x3: {  	s3 =	rddreg [dreg:$0x2]  }
0x4: {  	s0 =	rddreg [dreg:$0x3];
	s1 =	stileid.u32  }
0x5: {  	s5 =	srdreg.scid;
	s4 =	simm.s32 $0x0;
	s13 =	simm.s32 $0x80  }
0x6: {  	s14 =	simm.s32 $0x50;
	s15 =	simm.s32 $0x100;
	s16 =	simm.s32 $0x1  }
0x7: {  	s17 =	simm.s32 $0x0;
	s7 =	sand.u32 $0x1, s5;
	s24 =	smul.u32 $0x2800, s1  }
0x8: {  	[smem:$0x7FF] =	sst s4;
	s8 =	sshll.u32 s1, $0xC;
	s11 =	smul.u32 $0x50000, s1  }
0x9: {  	s5 =	sadd.s32 $0x12600, s6;
	s30 =	sshll.u32 s1, $0x6;
	s9 =	smul.u32 $0x28000, s7  }
0xa: {  	_ =	strace $0x8000004D;
	s10 =	sadd.s32 s8, s6;
	s26 =	ssub.s32 $0x2, s7  }
0xb: {  	s31 =	sshll.u32 s7, $0xB;
	s28 =	sshrl.u32 s26, $0x1;
	s29 =	sshrl.u32 s11, $0x2  }
0xc: {  	s10 =	sadd.s32 s31, s10;
	s25 =	sadd.s32 s24, s9;
	s9 =	ssub.s32 s26, s28  }
0xd: {  	s12 =	sadd.s32 s29, s3;
	s8 =	sadd.s32 s25, s6;
	s6 =	sor.u32 $0x1C02, s30  }
0xe: {  	s11 =	sshrl.u32 s12, $0x3;
	s12 =	simm.s32 $0x2;
	s7 =	sadd.s32 $0x14E00, s8  }
0xf: {  	s8 =	smax.u32 s9, $0x1;
	s9 =	sadd.s32 $0x64E00, s10;
	s10 =	sadd.s32 $0x2600, s10  }
.LBB2_1:
0x10: {  	[spmem:s11], [sflag:s6] =	dma.local [hbm:s5], $0x2800  }
0x11: {  	_ =	swait.ge [sflag:s12], $0x2800  }
0x12: {  	[sflag:s12] =	ssyncset.done $0x0  }
0x13: {  	[sflag:s12] =	ssyncadd.s32 $0xFFFFD800  }
0x14: {  	s18 =	sadd.s32 $0x0, s9;
	[bflag:$0x0] =	sbarrier.arrive $0xFFFF  }
0x15: {  	[tilespmem:s4], [sflag:$0x2] =	stream.linear.gather [hbm4b:s18+s4], $0x80, $0x38;
	[tilespmem:$0x16900] =	vst v63  }
0x16: {  	_ =	swait.ge [sflag:s12], $0x80  }
0x17: {  	[sflag:s12] =	ssyncset.done $0x0  }
0x18: {  	s31 =	sadd.s32 $0x0, s10;
	[sflag:s12] =	ssyncadd.s32 $0xFFFFFF80  }
0x19: {  	[tilespmem:s13], [sflag:$0x2] =	stream.linear.gather [hbm4b:s31+s4], $0x80, $0x38;
	[tilespmem:$0x16900] =	vst v63  }
0x1a: {  	_ =	swait.ge [sflag:s12], $0x80  }
0x1b: {  	[sflag:s12] =	ssyncset.done $0x0  }
0x1c: {  	[sflag:s12] =	ssyncadd.s32 $0xFFFFFF80  }
0x1d: {  	[tilespmem:s15], [sflag:$0x1] =	stream.indirect.gather [hbm4b:s2+s14], $0x80, s4, s14, $0xb8;
	[tilespmem:$0x16900] =	vst v63  }
0x1e: {  	_ =	swait.ge [sflag:s16], $0x2800  }
0x1f: {  	[sflag:s16] =	ssyncset.done $0x0  }
0x20: {  	[sflag:s16] =	ssyncadd.s32 $0xFFFFD800  }
0x21: {  	[spmem:s3] =	stream.indirect.scatter.add.f32 [tilespmem:s15], [sflag:$0x2], $0x80, s13, s14, $0xb8;
	[tilespmem:$0x16900] =	vst v63  }
0x22: {  	_ =	swait.ge [sflag:s12], $0x2800  }
0x23: {  	s19 =	simm.s32 $0x20;
	s18 =	simm.s32 $0x10;
	[sflag:s12] =	ssyncset.done $0x0  }
.LBB2_2:
0x24: {  	s20 =	sadd.s32 s18, s9  }
0x25: {  	[sflag:s12] =	ssyncadd.s32 $0xFFFFD800;
	s21 =	smov.u32 s19;
	s22 =	sadd.s32 $0x10, s19  }
0x26: {  	[tilespmem:s4], [sflag:$0x2] =	stream.linear.gather [hbm4b:s20+s4], $0x80, $0x38;
	[tilespmem:$0x16900] =	vst v63  }
0x27: {  	p0 =	sne.s32 s19, $0x7C0;
	_ =	swait.ge [sflag:s12], $0x80  }
0x28: {  	[sflag:s12] =	ssyncset.done $0x0  }
0x29: {  	s19 =	sadd.s32 s18, s10;
	s18 =	smov.u32 s21;
	[sflag:s12] =	ssyncadd.s32 $0xFFFFFF80  }
0x2a: {  	[tilespmem:s13], [sflag:$0x2] =	stream.linear.gather [hbm4b:s19+s4], $0x80, $0x38;
	[tilespmem:$0x16900] =	vst v63  }
0x2b: {  	_ =	swait.ge [sflag:s12], $0x80  }
0x2c: {  	[sflag:s12] =	ssyncset.done $0x0  }
0x2d: {  	[sflag:s12] =	ssyncadd.s32 $0xFFFFFF80  }
0x2e: {  	[tilespmem:s15], [sflag:$0x1] =	stream.indirect.gather [hbm4b:s2+s14], $0x80, s4, s14, $0xb8;
	[tilespmem:$0x16900] =	vst v63  }
0x2f: {  	_ =	swait.ge [sflag:s16], $0x2800  }
.Ltmp0:
0x30: {  	[sflag:s16] =	ssyncset.done $0x0;
	(pc) =	sbr.rel @p0 .LBB2_2-.Ltmp0, $4  }
0x31: {  	[sflag:s16] =	ssyncadd.s32 $0xFFFFD800  }
0x32: {  	[spmem:s3] =	stream.indirect.scatter.add.f32 [tilespmem:s15], [sflag:$0x2], $0x80, s13, s14, $0xb8;
	[tilespmem:$0x16900] =	vst v63  }
0x33: {  	_ =	swait.ge [sflag:s12], $0x2800  }
0x34: {  	s19 =	smov.u32 s22;
	[sflag:s12] =	ssyncset.done $0x0  }
0x35: {  	s19 =	sadd.s32 s18, s9;
	[sflag:s12] =	ssyncadd.s32 $0xFFFFD800  }
0x36: {  	[tilespmem:s4], [sflag:$0x2] =	stream.linear.gather [hbm4b:s19+s4], $0x80, $0x38;
	[tilespmem:$0x16900] =	vst v63  }
0x37: {  	_ =	swait.ge [sflag:s12], $0x80  }
0x38: {  	[sflag:s12] =	ssyncset.done $0x0  }
0x39: {  	s31 =	sadd.s32 s18, s10;
	[sflag:s12] =	ssyncadd.s32 $0xFFFFFF80  }
0x3a: {  	[tilespmem:s13], [sflag:$0x2] =	stream.linear.gather [hbm4b:s31+s4], $0x80, $0x38;
	[tilespmem:$0x16900] =	vst v63  }
0x3b: {  	_ =	swait.ge [sflag:s12], $0x80  }
0x3c: {  	[sflag:s12] =	ssyncset.done $0x0  }
0x3d: {  	[sflag:s12] =	ssyncadd.s32 $0xFFFFFF80  }
0x3e: {  	[tilespmem:s15], [sflag:$0x1] =	stream.indirect.gather [hbm4b:s2+s14], $0x80, s4, s14, $0xb8;
	[tilespmem:$0x16900] =	vst v63  }
0x3f: {  	_ =	swait.ge [sflag:s16], $0x2800  }
0x40: {  	[sflag:s16] =	ssyncset.done $0x0  }
0x41: {  	[sflag:s16] =	ssyncadd.s32 $0xFFFFD800  }
0x42: {  	[spmem:s3] =	stream.indirect.scatter.add.f32 [tilespmem:s15], [sflag:$0x2], $0x80, s13, s14, $0xb8;
	[tilespmem:$0x16900] =	vst v63  }
0x43: {  	_ =	swait.ge [sflag:s12], $0x2800  }
0x44: {  	s17 =	sadd.s32 $0x1, s17;
	[sflag:s12] =	ssyncset.done $0x0  }
0x45: {  	p0 =	sne.s32 s17, s8;
	[sflag:s12] =	ssyncadd.s32 $0xFFFFD800  }
.Ltmp1:
0x46: {  	[bflag:$0x0] =	sbarrier.arrive $0xFFFF;
	(pc) =	sbr.rel @p0 .LBB2_1-.Ltmp1, $4  }
0x47: {  	[hbm:s7], [sflag:s6] =	dma.local [spmem:s11], $0x2800  }
0x48: {  	_ =	swait.ge [sflag:s12], $0x2800  }
0x49: {  	[sflag:s12] =	ssyncset.done $0x0  }
0x4a: {  	[sflag:s12] =	ssyncadd.s32 $0xFFFFD800  }
0x4b: {  	_ =	sfence.sel $0x180000  }
0x4c: {  	[bflag:$0x0] =	sbarrier.arrive $0xFFFF  }
0x4d: {  	p0 =	sne.s32 s1, $0x0;
	_ =	strace $0x9000004D  }
0x4e: {  	s0 =	sadd.s32 @!p0 $0x100000, s0;
	[bflag:$0x2] =	sbarrier.arrive $0xFFFF  }
0x4f: {  	[sflag:s0] =	ssyncadd.tile.s32 @!p0 $0x1;
	_ =	shalt  }
.Lfunc_end2:
_tile_overlayer_lowered:
.L_overlay_start_2:
0x50: {  	(tag) =	ssettag $0x2  }
0x51: {  	s0 =	rddreg [dreg:$0x0];
	s2 =	stileid.u32  }
0x52: {  	s1 =	rddreg [dreg:$0x1];
	p0 =	sne.s32 s2, $0x0  }
0x53: {  	s3 =	rddreg [dreg:$0x2];
	[bflag:$0x3] =	sbarrier.arrive $0xFFFF;
	s2 =	simm.s32 @!p0 $0x1C02  }
0x54: {  	[timem:s3], [sflag:s2] =	dma.local @!p0 [hbm:s0], s1  }
0x55: {  	s0 =	simm.s32 @!p0 $0x2  }
0x56: {  	_ =	swait.ge @!p0 [sflag:s0], s1  }
0x57: {  	s1 =	ssub.s32 @!p0 $0x0, s1;
	[sflag:s0] =	ssyncset.done @!p0 $0x0  }
0x58: {  	[sflag:s0] =	ssyncadd.s32 @!p0 s1  }
0x59: {  	[bflag:$0x3] =	sbarrier.arrive $0xFFFF  }
0x5a: {  	_ =	shalt  }

// kernel: kernel.9.cloned.1.call-start
scs
__scs_entry_jumppad:
0x0: {  	(pc) =	sbr.rel $0x88, $3  }
0x1: {  	(tag) =	ssettag $0x0;
	lr =	simm.s32 $0x1  }
0x2: {  	[smem:$0x3F9B] =	sst lr;
	_ =	strace $0xD0000000  }
0x3: {  	_ = 	snop  }
0x4: {  	_ = 	snop  }
0x5: {  	_ = 	snop  }
0x6: {  	_ = 	snop  }
0x7: {  	_ = 	snop  }
__scs_overlays_trampoline_lowered:
0x8: {  	[smem:$0x3FAA] =	sst s0  }
0x9: {  	[smem:$0x3FAB] =	sst s1  }
0xa: {  	[smem:$0x3FAC] =	sst s2  }
0xb: {  	[smem:$0x3FAD] =	sst s3  }
0xc: {  	[smem:$0x3FAE] =	sst s4  }
0xd: {  	[smem:$0x3FAF] =	sst s5  }
0xe: {  	[smem:$0x3FB0] =	sst s6  }
0xf: {  	[smem:$0x3FB1] =	sst s7  }
0x10: {  	[smem:$0x3FB2] =	sst s8  }
0x11: {  	[smem:$0x3FB3] =	sst s9;
	s0 =	simm.s32 @!p0 $0x0  }
0x12: {  	s1 =	sld [smem:$0x3F99];
	s0 =	simm.s32 @p0 $0x1  }
0x13: {  	[smem:$0x3FB4] =	sst s0;
	s0 =	simm.s32 @!p1 $0x0  }
0x14: {  	s2 =	sld [smem:$0x3F98];
	s0 =	simm.s32 @p1 $0x1  }
0x15: {  	[smem:$0x3FB5] =	sst s0;
	s0 =	simm.s32 @!p2 $0x0  }
0x16: {  	s3 =	sld [smem:$0x3FDB];
	s0 =	simm.s32 @p2 $0x1  }
0x17: {  	s4 =	simm.s32 $0x1BF5;
	[smem:$0x3FB7] =	sst s0  }
0x18: {  	s0 =	sld [smem:$0x3F9A];
	_ =	swait.ge [sflag:s4], $0x0  }
0x19: {  	s7 =	sld [smem:$0x3F9B]  }
0x1a: {  	s8 =	sadd.s32 $0xFFFFE003, lr  }
0x1b: {  	s9 =	sadd.s32 $0xFFFFFEF7, lr;
	s5 =	simm.s32 $0xFFFFFFFF;
	p2 =	slt.u32 s8, $0xFFFFF086  }
0x1c: {  	p1 =	slt.u32 s9, $0xF7A;
	s5 =	simm.s32 @!p2 $0x0  }
0x1d: {  	s5 =	simm.s32 @p1 $0x1;
	p0 =	seq.s32 s7, s2  }
0x1e: {  	s7 =	smul.u32 @!p0 $0xF7A, s2;
	p2 =	seq.s32 @!p0 s5, $0x0  }
0x1f: {  	s9 =	smul.u32 $0xF7A, s1;
	s8 =	simm.s32 @!p0 $0x1BF5;
	p2 =	por !p2, p0  }
0x20: {  	[sflag:s8] =	ssyncset.s32 @!p0 $0xFFFFF086;
	s6 =	sadd.s32 @!p0 s3, s7;
	s7 =	simm.s32 @!p0 $0x108  }
0x21: {  	s3 =	sadd.s32 s3, s9;
	s6 =	sadd.s32 @!p0 $0x88, s6;
	s7 =	simm.s32 @p2 $0x1082  }
0x22: {  	[simem:s7], [sflag:s8] =	dma.local @!p0 [hbm:s6], $0xF7A  }
0x23: {  	s9 =	sor.u32 $0xD0000000, s2;
	s6 =	simm.s32 $0x108;
	_ =	swait.ge @!p0 [sflag:s8], $0x0  }
0x24: {  	s3 =	sadd.s32 $0x88, s3;
	s6 =	simm.s32 @!p1 $0x1082;
	[sflag:s4] =	ssyncset.s32 $0xFFFFF086  }
0x25: {  	[simem:s6], [sflag:s4] =	dma.local [hbm:s3], $0xF7A  }
0x26: {  	[smem:$0x3F9B] =	sst s1;
	(tag) =	ssettag s2;
	_ =	strace s9  }
0x27: {  	s1 =	sld [smem:$0x3FAB]  }
0x28: {  	s2 =	sld [smem:$0x3FAC]  }
0x29: {  	s4 =	sld [smem:$0x3FAE]  }
0x2a: {  	p0 =	seq.s32 s5, $0x0;
	s5 =	sld [smem:$0x3FAF]  }
0x2b: {  	s6 =	sld [smem:$0x3FB0]  }
0x2c: {  	s7 =	sld [smem:$0x3FB1]  }
0x2d: {  	s3 =	simm.s32 $0x108;
	s8 =	sld [smem:$0x3FB2]  }
0x2e: {  	s3 =	simm.s32 @!p0 $0x1082;
	s9 =	sld [smem:$0x3FB3]  }
0x2f: {  	lr =	sadd.s32 s0, s3;
	s0 =	sld [smem:$0x3FAA]  }
0x30: {  	s3 =	sld [smem:$0x3FAD]  }
0x31: {  	[smem:$0x3FB6] =	sst s10  }
0x32: {  	s10 =	sld [smem:$0x3FB4];
	_ =	sdelay $0x3  }
0x33: {  	p0 =	seq.s32 s10, $0x1;
	s10 =	sld [smem:$0x3FB6];
	_ =	sdelay $0x3  }
0x34: {  	[smem:$0x3FB6] =	sst s10  }
0x35: {  	s10 =	sld [smem:$0x3FB5];
	_ =	sdelay $0x3  }
0x36: {  	p1 =	seq.s32 s10, $0x1;
	s10 =	sld [smem:$0x3FB6];
	_ =	sdelay $0x3  }
0x37: {  	[smem:$0x3FB6] =	sst s10  }
0x38: {  	s10 =	sld [smem:$0x3FB7]  }
0x39: {  	_ = 	snop;
	(pc) =	sbr.ind lr, $3  }
0x3a: {  	_ = 	snop  }
0x3b: {  	_ = 	snop  }
0x3c: {  	p2 =	seq.s32 s10, $0x1;
	s10 =	sld [smem:$0x3FB6]  }
0x3d: {  	_ =	shalt  }
0x3e: {  	_ =	shalt  }
0x3f: {  	_ =	shalt  }
0x40: {  	_ =	shalt  }
0x41: {  	_ =	shalt  }
0x42: {  	_ =	shalt  }
0x43: {  	_ =	shalt  }
0x44: {  	_ =	shalt  }
0x45: {  	_ =	shalt  }
0x46: {  	_ =	shalt  }
0x47: {  	_ =	shalt  }
0x48: {  	_ =	shalt  }
0x49: {  	_ =	shalt  }
0x4a: {  	_ =	shalt  }
0x4b: {  	_ =	shalt  }
0x4c: {  	_ =	shalt  }
0x4d: {  	_ =	shalt  }
0x4e: {  	_ =	shalt  }
0x4f: {  	_ =	shalt  }
0x50: {  	_ =	shalt  }
0x51: {  	_ =	shalt  }
0x52: {  	_ =	shalt  }
0x53: {  	_ =	shalt  }
0x54: {  	_ =	shalt  }
0x55: {  	_ =	shalt  }
0x56: {  	_ =	shalt  }
0x57: {  	_ =	shalt  }
0x58: {  	_ =	shalt  }
0x59: {  	_ =	shalt  }
0x5a: {  	_ =	shalt  }
0x5b: {  	_ =	shalt  }
0x5c: {  	_ =	shalt  }
0x5d: {  	_ =	shalt  }
0x5e: {  	_ =	shalt  }
0x5f: {  	_ =	shalt  }
0x60: {  	_ =	shalt  }
0x61: {  	_ =	shalt  }
0x62: {  	_ =	shalt  }
0x63: {  	_ =	shalt  }
0x64: {  	_ =	shalt  }
0x65: {  	_ =	shalt  }
0x66: {  	_ =	shalt  }
0x67: {  	_ =	shalt  }
0x68: {  	_ =	shalt  }
0x69: {  	_ =	shalt  }
0x6a: {  	_ =	shalt  }
0x6b: {  	_ =	shalt  }
0x6c: {  	_ =	shalt  }
0x6d: {  	_ =	shalt  }
0x6e: {  	_ =	shalt  }
0x6f: {  	_ =	shalt  }
0x70: {  	_ =	shalt  }
0x71: {  	_ =	shalt  }
0x72: {  	_ =	shalt  }
0x73: {  	_ =	shalt  }
0x74: {  	_ =	shalt  }
0x75: {  	_ =	shalt  }
0x76: {  	_ =	shalt  }
0x77: {  	_ =	shalt  }
0x78: {  	_ =	shalt  }
0x79: {  	_ =	shalt  }
0x7a: {  	_ =	shalt  }
0x7b: {  	_ =	shalt  }
0x7c: {  	_ =	shalt  }
0x7d: {  	_ =	shalt  }
0x7e: {  	_ =	shalt  }
0x7f: {  	_ =	shalt  }
0x80: {  	_ =	shalt  }
0x81: {  	_ =	shalt  }
0x82: {  	_ =	shalt  }
0x83: {  	_ =	shalt  }
0x84: {  	_ =	shalt  }
0x85: {  	_ =	shalt  }
0x86: {  	_ =	shalt  }
0x87: {  	_ =	shalt  }
.Lfunc_end0:
.L_simem_size_0:
called_computation_lowered:
.L_overlay_start_0:
0x88: {  	s2 =	sld [smem:$0x3FD9]  }
0x89: {  	s3 =	sld [smem:$0x3FFE];
	_ =	sdelay $0x1  }
0x8a: {  	s1 =	srdreg.scid  }
0x8b: {  	s0 =	sand.u32 $0x1, s1  }
0x8c: {  	s16 =	sshll.u32 s0, $0xA;
	s2 =	sadd.s32 s3, s2  }
0x8d: {  	s2 =	sadd.s32 s2, s16  }
0x8e: {  	[smem:$0x3FC2] =	sst s2  }
0x8f: {  	_ = 	snop  }
0x90: {  	(tm) =	ssettm $0x1  }
0x91: {  	s17 =	sld [smem:$0x3FFB];
	_ =	sdelay $0x3  }
0x92: {  	_ =	strace s17  }
0x93: {  	s2 =	sld [smem:$0x3FFC];
	_ =	sdelay $0x3  }
0x94: {  	_ =	strace s2  }
0x95: {  	s2 =	sld [smem:$0x3FFD];
	_ =	sdelay $0x3  }
0x96: {  	_ =	strace s2  }
0x97: {  	_ =	strace $0x8FFFFFFF  }
0x98: {  	s18 =	sld [smem:$0x3FDB];
	_ =	sdelay $0x1  }
0x99: {  	s19 =	simm.s32 $_scs_section_size  }
0x9a: {  	s4 =	simm.s32 $_size__tile_overlayer_lowered;
	s5 =	simm.s32 $_tile_overlayer_lowered  }
0x9b: {  	s22 =	simm.s32 $0x1BFF;
	s21 =	sshll.u32 s5, $0x1;
	s2 =	sadd.s32 s19, s18  }
0x9c: {  	s6 =	simm.s32 $0x0;
	s20 =	sshll.u32 s4, $0x1;
	s4 =	sadd.s32 s21, s2  }
0x9d: {  	[timem:s6], [sflag:s22] =	dma.local [hbm:s4], s20  }
0x9e: {  	_ =	swait.ge [sflag:s22], s20  }
0x9f: {  	s3 =	ssub.s32 $0x0, s20;
	[sflag:s22] =	ssyncset.done $0x0  }
0xa0: {  	[sflag:s22] =	ssyncadd.s32 s3;
	_ =	sdelay $0x1  }
0xa1: {  	s23 =	simm.s32 $0x1B8B  }
0xa2: {  	_ =	swait.ge [sflag:s23], $0x1  }
0xa3: {  	[sflag:s23] =	ssyncset.done $0x0  }
0xa4: {  	s25 =	simm.s32 $0x1B8E;
	s24 =	sld [smem:$0x3FFE];
	[sflag:s23] =	ssyncadd.s32 $0xFFFFFFFF  }
0xa5: {  	s26 =	simm.s32 $execute0_lowered;
	[smem:$0x3FD2] =	sst s25  }
0xa6: {  	s4 =	sshll.u32 s26, $0x1;
	_ =	strace $0x80000046;
	[dreg:$0x1] =	wrdreg $0xFFFFFFFF  }
0xa7: {  	s28 =	simm.s32 $_size_execute0_lowered;
	s2 =	sadd.s32 s2, s4;
	[dreg:$0x0] =	wrdreg $0x0  }
0xa8: {  	s4 =	sshll.u32 s28, $0x1;
	[dreg:$0x2] =	wrdreg s2  }
0xa9: {  	[dreg:$0x3] =	wrdreg s4  }
0xaa: {  	[dreg:$0x4] =	wrdreg $0xC0  }
0xab: {  	_ =	task [dreg:s6], $0x5FFFF  }
0xac: {  	[dreg:$0x1] =	wrdreg $0xFFFFFFFF  }
0xad: {  	[dreg:$0x0] =	wrdreg $0x60  }
0xae: {  	[dreg:$0x2] =	wrdreg s24  }
0xaf: {  	[dreg:$0x3] =	wrdreg $0x28800  }
0xb0: {  	[dreg:$0x4] =	wrdreg $0x9  }
0xb1: {  	_ =	task.clear_ibuf [dreg:s6], $0x5FFFF;
	_ =	strace $0x90000046  }
0xb2: {  	s29 =	simm.s32 $0x9;
	_ =	strace $0x80000048  }
0xb3: {  	_ =	swait.ge [sflag:s29], $0x1  }
0xb4: {  	[sflag:s29] =	ssyncadd.s32 $0xFFFFFFFF  }
0xb5: {  	_ =	strace $0x90000048  }
0xb6: {  	_ =	sfence  }
0xb7: {  	s30 =	sld [smem:$0x0];
	_ =	sdelay $0x2  }
0xb8: {  	s31 =	sshll.u32 s1, $0xD;
	s1 =	sshrl.u32 s1, $0x2  }
0xb9: {  	s3 =	sand.u32 $0x4000, s31;
	s1 =	sadd.s32 s1, s30  }
0xba: {  	s0 =	sor.u32 s3, s0;
	s1 =	sshll.u32 s1, $0x11  }
0xbb: {  	s0 =	sor.u32 s1, s0  }
0xbc: {  	s0 =	sadd.s32 $0x8F2B, s0  }
0xbd: {  	[sflag:s0] =	ssyncadd.remote.s32 $0x1  }
0xbe: {  	_ =	sfence.sel $0xFFFF  }
0xbf: {  	[dreg:$0x0] =	wrdreg $0xFFFFFFFF;
	(pc) =	sbr.abs _section_cstart, $3  }
0xc0: {  	[dreg:$0x1] =	wrdreg $0xFFFFFFFF  }
0xc1: {  	_ =	task.clear_ibuf [dreg:s6], $0x2FFFF;
	_ =	strace $0x9FFFFFFF  }
0xc2: {  	(tm) =	ssettm $0x7FFFFFFF  }
0xc3: {  	_ =	shalt  }
tec
execute0_lowered:
.L_overlay_start_1:
0x0: {  	(tag) =	ssettag $0x1  }
0x1: {  	s5 =	rddreg [dreg:$0x0]  }
0x2: {  	s2 =	rddreg [dreg:$0x1]  }
0x3: {  	s0 =	rddreg [dreg:$0x2];
	s1 =	stileid.u32  }
0x4: {  	s4 =	srdreg.scid;
	s3 =	simm.s32 $0x0;
	s12 =	simm.s32 $0x80  }
0x5: {  	s13 =	simm.s32 $0x0;
	s6 =	sand.u32 $0x1, s4;
	s23 =	smul.u32 $0x2800, s1  }
0x6: {  	[smem:$0x7FF] =	sst s3;
	s7 =	sshll.u32 s1, $0xC;
	s10 =	smul.u32 $0x50000, s1  }
0x7: {  	s4 =	sadd.s32 $0x12600, s5;
	s29 =	sshll.u32 s1, $0x6;
	s8 =	smul.u32 $0x28000, s6  }
0x8: {  	_ =	strace $0x80000047;
	s9 =	sadd.s32 s7, s5;
	s25 =	ssub.s32 $0x2, s6  }
0x9: {  	s30 =	sshll.u32 s6, $0xB;
	s26 =	sshrl.u32 s25, $0x1;
	s28 =	sshrl.u32 s10, $0x2  }
0xa: {  	s31 =	sadd.s32 s30, s9;
	s10 =	simm.s32 $0x1;
	s24 =	sadd.s32 s23, s8  }
0xb: {  	s8 =	ssub.s32 s25, s26;
	s11 =	sadd.s32 s28, s2;
	s7 =	sadd.s32 s24, s5  }
0xc: {  	s5 =	sor.u32 $0x1C01, s29;
	s9 =	sshrl.u32 s11, $0x3;
	s11 =	simm.s32 $0x50  }
0xd: {  	v0 =	vimm.f32 $1.000000000e+00;
	s6 =	sadd.s32 $0x14E00, s7;
	s7 =	smax.u32 s8, $0x1;
	s8 =	sadd.s32 $0x2600, s31  }
.LBB2_1:
0xe: {  	s14 =	sand.u32 $0xFE00, s3  }
0xf: {  	s15 =	sand.u32 $0x70, s3;
	s16 =	sshrl.u32 s14, $0x2  }
0x10: {  	s14 =	simm.s32 $0x40;
	s16 =	sor.u32 s15, s16;
	s15 =	simm.s32 $0x0  }
.LBB2_2:
0x11: {  	p0 =	sne.s32 s14, $0x9FC0  }
0x12: {  	[tilespmem:s16+$0x80] =	vst v0;
	s15 =	sadd.s32 $0x10, s15;
	s16 =	smov.u32 s14;
	s14 =	sadd.s32 $0x40, s14  }
.Ltmp0:
0x13: {  	(pc) =	sbr.rel @p0 .LBB2_2-.Ltmp0, $4  }
0x14: {  	_ = 	snop  }
0x15: {  	s16 =	sand.u32 $0xFE00, s16  }
0x16: {  	s17 =	sand.u32 $0x70, s15;
	s16 =	sshrl.u32 s16, $0x2  }
0x17: {  	s16 =	sor.u32 s17, s16  }
0x18: {  	[tilespmem:s16+$0x80] =	vst v0  }
0x19: {  	[spmem:s9], [sflag:s5] =	dma.local [hbm:s4], $0x2800  }
0x1a: {  	_ =	swait.ge [sflag:s10], $0x2800  }
0x1b: {  	[sflag:s10] =	ssyncset.done $0x0  }
0x1c: {  	[sflag:s10] =	ssyncadd.s32 $0xFFFFD800  }
0x1d: {  	s14 =	sadd.s32 $0x0, s8;
	[bflag:$0x0] =	sbarrier.arrive $0xFFFF  }
0x1e: {  	[tilespmem:s3], [sflag:$0x1] =	stream.linear.gather [hbm4b:s14+s3], $0x80, $0x38;
	[tilespmem:$0x16880] =	vst v63  }
0x1f: {  	_ =	swait.ge [sflag:s10], $0x80  }
0x20: {  	[sflag:s10] =	ssyncset.done $0x0  }
0x21: {  	[sflag:s10] =	ssyncadd.s32 $0xFFFFFF80  }
0x22: {  	[spmem:s2] =	stream.indirect.scatter.add.f32 [tilespmem:s12], [sflag:$0x1], $0x80, s3, s11, $0xb8;
	[tilespmem:$0x16880] =	vst v63  }
0x23: {  	_ =	swait.ge [sflag:s10], $0x2800  }
0x24: {  	s15 =	simm.s32 $0x20;
	s14 =	simm.s32 $0x10;
	[sflag:s10] =	ssyncset.done $0x0  }
.LBB2_4:
0x25: {  	s16 =	sadd.s32 s14, s8  }
0x26: {  	[sflag:s10] =	ssyncadd.s32 $0xFFFFD800;
	s14 =	smov.u32 s15;
	s17 =	sadd.s32 $0x10, s15  }
0x27: {  	[tilespmem:s3], [sflag:$0x1] =	stream.linear.gather [hbm4b:s16+s3], $0x80, $0x38;
	[tilespmem:$0x16880] =	vst v63  }
0x28: {  	p0 =	sne.s32 s15, $0x7C0;
	_ =	swait.ge [sflag:s10], $0x80  }
.Ltmp1:
0x29: {  	[sflag:s10] =	ssyncset.done $0x0;
	(pc) =	sbr.rel @p0 .LBB2_4-.Ltmp1, $4  }
0x2a: {  	[sflag:s10] =	ssyncadd.s32 $0xFFFFFF80  }
0x2b: {  	[spmem:s2] =	stream.indirect.scatter.add.f32 [tilespmem:s12], [sflag:$0x1], $0x80, s3, s11, $0xb8;
	[tilespmem:$0x16880] =	vst v63  }
0x2c: {  	_ =	swait.ge [sflag:s10], $0x2800  }
0x2d: {  	s15 =	smov.u32 s17;
	[sflag:s10] =	ssyncset.done $0x0  }
0x2e: {  	s14 =	sadd.s32 s14, s8;
	[sflag:s10] =	ssyncadd.s32 $0xFFFFD800  }
0x2f: {  	[tilespmem:s3], [sflag:$0x1] =	stream.linear.gather [hbm4b:s14+s3], $0x80, $0x38;
	[tilespmem:$0x16880] =	vst v63  }
0x30: {  	_ =	swait.ge [sflag:s10], $0x80  }
0x31: {  	[sflag:s10] =	ssyncset.done $0x0  }
0x32: {  	[sflag:s10] =	ssyncadd.s32 $0xFFFFFF80  }
0x33: {  	[spmem:s2] =	stream.indirect.scatter.add.f32 [tilespmem:s12], [sflag:$0x1], $0x80, s3, s11, $0xb8;
	[tilespmem:$0x16880] =	vst v63  }
0x34: {  	_ =	swait.ge [sflag:s10], $0x2800  }
0x35: {  	s13 =	sadd.s32 $0x1, s13;
	[sflag:s10] =	ssyncset.done $0x0  }
0x36: {  	p0 =	sne.s32 s13, s7;
	[sflag:s10] =	ssyncadd.s32 $0xFFFFD800  }
.Ltmp2:
0x37: {  	[bflag:$0x0] =	sbarrier.arrive $0xFFFF;
	(pc) =	sbr.rel @p0 .LBB2_1-.Ltmp2, $4  }
0x38: {  	[hbm:s6], [sflag:s5] =	dma.local [spmem:s9], $0x2800  }
0x39: {  	_ =	swait.ge [sflag:s10], $0x2800  }
0x3a: {  	[sflag:s10] =	ssyncset.done $0x0  }
0x3b: {  	[sflag:s10] =	ssyncadd.s32 $0xFFFFD800  }
0x3c: {  	_ =	sfence.sel $0x180000  }
0x3d: {  	[bflag:$0x0] =	sbarrier.arrive $0xFFFF  }
0x3e: {  	p0 =	sne.s32 s1, $0x0;
	_ =	strace $0x90000047  }
0x3f: {  	s0 =	sadd.s32 @!p0 $0x100000, s0;
	[bflag:$0x2] =	sbarrier.arrive $0xFFFF  }
0x40: {  	[sflag:s0] =	ssyncadd.tile.s32 @!p0 $0x1;
	_ =	shalt  }
.Lfunc_end2:
_tile_overlayer_lowered:
.L_overlay_start_2:
0x41: {  	(tag) =	ssettag $0x2  }
0x42: {  	s0 =	rddreg [dreg:$0x0];
	s2 =	stileid.u32  }
0x43: {  	s1 =	rddreg [dreg:$0x1];
	p0 =	sne.s32 s2, $0x0  }
0x44: {  	s3 =	rddreg [dreg:$0x2];
	[bflag:$0x3] =	sbarrier.arrive $0xFFFF;
	s2 =	simm.s32 @!p0 $0x1C01  }
0x45: {  	[timem:s3], [sflag:s2] =	dma.local @!p0 [hbm:s0], s1  }
0x46: {  	s0 =	simm.s32 @!p0 $0x1  }
0x47: {  	_ =	swait.ge @!p0 [sflag:s0], s1  }
0x48: {  	s1 =	ssub.s32 @!p0 $0x0, s1;
	[sflag:s0] =	ssyncset.done @!p0 $0x0  }
0x49: {  	[sflag:s0] =	ssyncadd.s32 @!p0 s1  }
0x4a: {  	[bflag:$0x3] =	sbarrier.arrive $0xFFFF  }
0x4b: {  	_ =	shalt  }

</sc_bundles>
